<compile_context>
chip_gen: v7x
topology: tpu7x:2x2x1
jax: 0.10.2.dev20260603
libtpu: 0.0.44.dev20260713+nightly
codegen_flags: <defaults>
</compile_context>

<pallas_src>
import functools

import jax
import jax.numpy as jnp
from jax import lax
from jax.experimental import pallas as pl
from jax.experimental.pallas import tpu as pltpu
from jax.experimental.pallas import tpu_sc as plsc

_N = 100000
_NP = 102400
_TN = 2048
_D = 512
_NCLS = 20
_K = 8192
_DESC = 32
_ZROW = _K
_TBL = _K + 8
_CH = 128
_NCHUNK = _NP // _CH
_G = 5
_HK = 4096
_GARB = _HK


def _enc_body(x_ref, wenc_ref, wh_ref, bh_ref, inv_ref,
              sem_ref, off_ref, sc_ref, hng_ref, idxg_ref):
    i = pl.program_id(0)
    x = x_ref[...]
    h = jnp.maximum(
        jnp.dot(x, wenc_ref[...], preferred_element_type=jnp.float32), 0.0)
    heads = (jnp.dot(h, wh_ref[...], preferred_element_type=jnp.float32)
             + bh_ref[0:1, :])
    sem = heads[:, 0:_NCLS]
    maxv = jnp.max(sem, axis=1, keepdims=True)
    ismax0 = sem[:, 0:1] >= maxv
    rows = i * _TN + lax.broadcasted_iota(jnp.int32, (_TN, 1), 0)
    mbool = jnp.logical_and(jnp.logical_not(ismax0), rows < _N)
    m = mbool.astype(jnp.float32)
    sem_ref[...] = sem
    off_ref[...] = heads[:, _NCLS:_NCLS + 3] * m
    sc_ref[...] = jax.nn.sigmoid(heads[:, _NCLS + 3:_NCLS + 4]) * m
    hng = h * m
    for j in range(4):
        hng_ref[j] = hng[:, j * 128:(j + 1) * 128]
    idxg_ref[...] = jnp.where(mbool, inv_ref[...], _ZROW)


_enc_call = pl.pallas_call(
    _enc_body,
    grid=(_NP // _TN,),
    in_specs=[
        pl.BlockSpec((_TN, 8), lambda i: (i, 0)),
        pl.BlockSpec((8, _D), lambda i: (0, 0)),
        pl.BlockSpec((_D, 24), lambda i: (0, 0)),
        pl.BlockSpec((8, 24), lambda i: (0, 0)),
        pl.BlockSpec((_TN, 1), lambda i: (i, 0)),
    ],
    out_specs=[
        pl.BlockSpec((_TN, _NCLS), lambda i: (i, 0)),
        pl.BlockSpec((_TN, 3), lambda i: (i, 0)),
        pl.BlockSpec((_TN, 1), lambda i: (i, 0)),
        pl.BlockSpec((4, _TN, 128), lambda i: (0, i, 0)),
        pl.BlockSpec((_TN, 1), lambda i: (i, 0)),
    ],
    out_shape=[
        jax.ShapeDtypeStruct((_NP, _NCLS), jnp.float32),
        jax.ShapeDtypeStruct((_NP, 3), jnp.float32),
        jax.ShapeDtypeStruct((_NP, 1), jnp.float32),
        jax.ShapeDtypeStruct((4, _NP, 128), jnp.float32),
        jax.ShapeDtypeStruct((_NP, 1), jnp.int32),
    ],
)


def _segsum_body(hng4, idxg3, inv3, zeros_b, ones_b, sum_out, cnt_out,
                 idx_v0, idx_v1, d_v0, d_v1, tbl, sem0, sem1):
    c = lax.axis_index("c")
    s = lax.axis_index("s")
    r0 = s * 512
    idx = [idx_v0, idx_v1]
    dat = [d_v0, d_v1]
    sem = [sem0, sem1]

    def start_h(b, p, k):
        k = jnp.minimum(k, _NCHUNK - 1)
        pltpu.async_copy(inv3.at[pl.ds(k, 1)], idx[b], sem[b])
        pltpu.async_copy(
            hng4.at[pl.ds((c * 2 + p) * _NP + k * _CH, _CH)], dat[b], sem[b])

    def wait_h(b):
        pltpu.make_async_copy(inv3.at[pl.ds(0, 1)], idx[b], sem[b]).wait()
        pltpu.make_async_copy(hng4.at[pl.ds(0, _CH)], dat[b], sem[b]).wait()

    def scat(data_ref, b):
        pltpu.sync_copy(data_ref, tbl.at[idx[b].at[0, 0]], add=True)

    def h_pass(p, carry):
        pltpu.sync_copy(zeros_b, tbl.at[pl.ds(r0, 512)])
        plsc.subcore_barrier()
        start_h(0, p, s * 50)

        def pair(g2, carry2):
            g = 2 * g2
            wait_h(0)
            start_h(1, p, s * 50 + g + 1)
            scat(dat[0], 0)
            wait_h(1)
            start_h(0, p, s * 50 + g + 2)
            scat(dat[1], 1)
            return carry2

        lax.fori_loop(0, 25, pair, 0)
        wait_h(0)
        plsc.subcore_barrier()
        pltpu.sync_copy(tbl.at[pl.ds(r0, 512)],
                        sum_out.at[c * 2 + p, pl.ds(r0, 512)])
        return carry

    lax.fori_loop(0, 2, h_pass, 0)

    pltpu.sync_copy(zeros_b, tbl.at[pl.ds(r0, 512)])
    plsc.subcore_barrier()
    pltpu.sync_copy(ones_b, d_v0)
    base = c * 400 + s * 25

    def start_i(b, k):
        k = jnp.minimum(k, _NCHUNK - 1)
        pltpu.async_copy(idxg3.at[pl.ds(k, 1)], idx[b], sem[b])

    def wait_i(b):
        pltpu.make_async_copy(idxg3.at[pl.ds(0, 1)], idx[b], sem[b]).wait()

    start_i(0, base)

    def cpair(g2, carry2):
        g = 2 * g2
        wait_i(0)
        start_i(1, base + g + 1)
        scat(d_v0, 0)
        wait_i(1)
        start_i(0, base + g + 2)
        scat(d_v0, 1)
        return carry2

    lax.fori_loop(0, 12, cpair, 0)
    wait_i(0)
    scat(d_v0, 0)
    plsc.subcore_barrier()
    pltpu.sync_copy(tbl.at[pl.ds(r0, 512)], cnt_out.at[c, pl.ds(r0, 512)])


@functools.cache
def _segsum_call():
    return pl.kernel(
        _segsum_body,
        mesh=plsc.VectorSubcoreMesh(core_axis_name="c", subcore_axis_name="s",
                                    num_cores=2, num_subcores=16),
        out_type=[
            jax.ShapeDtypeStruct((4, _K, 128), jnp.float32),
            jax.ShapeDtypeStruct((2, _K, 128), jnp.float32),
        ],
        scratch_types=[
            pltpu.VMEM((1, 1, _CH), jnp.int32),
            pltpu.VMEM((1, 1, _CH), jnp.int32),
            pltpu.VMEM((_CH, 128), jnp.float32),
            pltpu.VMEM((_CH, 128), jnp.float32),
            pltpu.VMEM_SHARED((_K + 8, 128), jnp.float32),
            pltpu.SemaphoreType.DMA,
            pltpu.SemaphoreType.DMA,
        ],
    )


def _cluster_body(cs_ref, cnt_ref, wc_ref, wci_ref, conf_ref, inst_ref):
    cnt = cnt_ref[0, :, 0:1] + cnt_ref[1, :, 0:1]
    cs = jnp.concatenate([cs_ref[j] for j in range(4)], axis=1)
    cf = cs / jnp.maximum(cnt, 1.0)
    cfeat = jnp.maximum(
        jnp.dot(cf, wc_ref[...], preferred_element_type=jnp.float32), 0.0)
    y = jnp.dot(cfeat, wci_ref[...], preferred_element_type=jnp.float32)
    conf_ref[...] = jax.nn.sigmoid(y[:, 0:1])
    inst_ref[...] = y[:, 1:]


_cluster_call = pl.pallas_call(
    _cluster_body,
    grid=(_K // 1024,),
    in_specs=[
        pl.BlockSpec((4, 1024, 128), lambda i: (0, i, 0)),
        pl.BlockSpec((2, 1024, 128), lambda i: (0, i, 0)),
        pl.BlockSpec((_D, _D), lambda i: (0, 0)),
        pl.BlockSpec((_D, 1 + 128), lambda i: (0, 0)),
    ],
    out_specs=[
        pl.BlockSpec((1024, 1), lambda i: (i, 0)),
        pl.BlockSpec((1024, 128), lambda i: (i, 0)),
    ],
    out_shape=[
        jax.ShapeDtypeStruct((_K, 1), jnp.float32),
        jax.ShapeDtypeStruct((_K, 128), jnp.float32),
    ],
)


def _gather_body(tbl_hbm, idxg3, out, idx_v, rows_v, sem):
    c = lax.axis_index("c")
    s = lax.axis_index("s")
    w = s * 2 + c

    def grp(g, carry):
        k0 = w * 25 + g * _G
        pltpu.sync_copy(idxg3.at[pl.ds(k0, _G)], idx_v)
        descs = [pltpu.async_copy(tbl_hbm.at[idx_v.at[j, 0]],
                                  rows_v.at[pl.ds(j * _CH, _CH)], sem)
                 for j in range(_G)]
        for d in descs:
            d.wait()
        pltpu.sync_copy(rows_v, out.at[pl.ds(k0 * _CH, _G * _CH)])
        return carry

    lax.fori_loop(0, 25 // _G, grp, 0)


@functools.cache
def _gather_call():
    return pl.kernel(
        _gather_body,
        mesh=plsc.VectorSubcoreMesh(core_axis_name="c", subcore_axis_name="s",
                                    num_cores=2, num_subcores=16),
        out_type=jax.ShapeDtypeStruct((_NP, 128), jnp.float32),
        scratch_types=[
            pltpu.VMEM((_G, 1, _CH), jnp.int32),
            pltpu.VMEM((_G * _CH, 128), jnp.float32),
            pltpu.SemaphoreType.DMA,
        ],
    )


def kernel(feats, coords, inv_map, W_enc, b_enc, W_sem, b_sem, W_off,
           W_cent, W_cluster, W_conf, W_inst):
    f32 = jnp.float32
    xa = jnp.zeros((_NP, 8), f32)
    xa = xa.at[:_N, :4].set(feats)
    xa = xa.at[:_N, 4].set(1.0)
    wenc_a = jnp.concatenate(
        [W_enc, b_enc[None, :], jnp.zeros((3, _D), f32)], axis=0)
    wh = jnp.concatenate([W_sem, W_off, W_cent], axis=1)
    bh = jnp.tile(jnp.concatenate([b_sem, jnp.zeros((4,), f32)])[None, :],
                  (8, 1))
    inv_p = jnp.zeros((_NP, 1), jnp.int32)
    inv_p = inv_p.at[:_N, 0].set(inv_map)

    sem, offs, scores, hng4, idxg = _enc_call(xa, wenc_a, wh, bh, inv_p)

    inv3 = jnp.reshape(inv_p, (_NCHUNK, 1, _CH))
    idxg3 = jnp.reshape(idxg, (_NCHUNK, 1, _CH))
    zeros_b = jnp.zeros((512, 128), f32)
    ones_b = jnp.ones((_CH, 128), f32)
    sum4, cnt2 = _segsum_call()(jnp.reshape(hng4, (4 * _NP, 128)),
                                idxg3, inv3, zeros_b, ones_b)

    conf, inst = _cluster_call(
        sum4, cnt2, W_cluster,
        jnp.concatenate([W_conf, W_inst,
                         jnp.zeros((_D, 128 - _DESC), jnp.float32)], axis=1))

    tblg = jnp.concatenate([inst, jnp.zeros((_TBL - _K, 128), f32)], axis=0)
    inst_f = _gather_call()(tblg, idxg3)

    return (sem[:_N], scores[:_N], offs[:_N], conf, inst_f[:_N, :_DESC])

# --- scband reference (transcript-rebuilt; emitter-appended) ---
"""Pipeline reference for scband-tree-projector-17454747091365 (READ-ONLY COPY).

The authoritative reference and input builder live on the scoring server;
editing this copy changes nothing except your own understanding.
"""

import jax, jax.numpy as jnp
import numpy as np

N = 100000          # number of occupied voxels (typical outdoor lidar scan after voxelization)
IN_CH = 4           # xyz + intensity
D = 512             # latent_dim
NUM_CLASSES = 20
NUM_CLUSTERS = 8192 # clusters produced by offset-head voxelization (inv_map targets)
DESC = 32           # descriptor_dim


def setup_inputs(seed: int = 0) -> dict:
    key = jax.random.key(seed)
    ks = jax.random.split(key, 12)
    s = lambda fan: 1.0 / np.sqrt(fan)
    feats = jax.random.normal(ks[0], (N, IN_CH), dtype=jnp.float32)
    coords = jax.random.randint(ks[1], (N, 4), 0, 256).astype(jnp.int32)
    inv_map = jax.random.randint(ks[2], (N,), 0, NUM_CLUSTERS).astype(jnp.int32)
    W_enc = jax.random.normal(ks[3], (IN_CH, D), dtype=jnp.float32) * s(IN_CH)
    b_enc = jnp.zeros((D,), dtype=jnp.float32)
    W_sem = jax.random.normal(ks[4], (D, NUM_CLASSES), dtype=jnp.float32) * s(D)
    b_sem = jnp.zeros((NUM_CLASSES,), dtype=jnp.float32)
    W_off = jax.random.normal(ks[5], (D, 3), dtype=jnp.float32) * s(D)
    W_cent = jax.random.normal(ks[6], (D, 1), dtype=jnp.float32) * s(D)
    W_cluster = jax.random.normal(ks[7], (D, D), dtype=jnp.float32) * s(D)
    W_conf = jax.random.normal(ks[8], (D, 1), dtype=jnp.float32) * s(D)
    W_inst = jax.random.normal(ks[9], (D, DESC), dtype=jnp.float32) * s(D)
    return {
        'feats': feats, 'coords': coords, 'inv_map': inv_map,
        'W_enc': W_enc, 'b_enc': b_enc, 'W_sem': W_sem, 'b_sem': b_sem,
        'W_off': W_off, 'W_cent': W_cent, 'W_cluster': W_cluster,
        'W_conf': W_conf, 'W_inst': W_inst,
    }


def reference(feats, coords, inv_map, W_enc, b_enc, W_sem, b_sem, W_off,
              W_cent, W_cluster, W_conf, W_inst):
    # encoder + voxel_decoder (stand-in for the sparse 3D U-Net backbone)
    h = jax.nn.relu(feats @ W_enc + b_enc)                      # [N, D]
    # semantic_head (1x1 sparse conv == per-voxel linear)
    semantic_output = h @ W_sem + b_sem                          # [N, NUM_CLASSES]
    semantic_labels = jnp.argmax(semantic_output, axis=1)       # predicted labels
    # _sparse_select of non-ground voxels; zero-fill semantics of _sparse_restore
    ng_mask = (semantic_labels != 0).astype(jnp.float32)[:, None]  # [N, 1]
    h_ng = h * ng_mask                                           # masked select
    # offset_head: per-voxel offsets + cluster feats via inv_map scatter-add
    offsets = (h_ng @ W_off) * ng_mask                           # [N, 3]
    counts = jax.ops.segment_sum(ng_mask[:, 0], inv_map, num_segments=NUM_CLUSTERS)
    cluster_sum = jax.ops.segment_sum(h_ng, inv_map, num_segments=NUM_CLUSTERS)
    cluster_feats = cluster_sum / jnp.clip(counts, 1.0)[:, None]  # [NUM_CLUSTERS, D]
    # centroid_head: per-voxel centroid scores + per-cluster confidences
    centroid_scores = jax.nn.sigmoid(h_ng @ W_cent) * ng_mask    # [N, 1]
    centroid_feats = jax.nn.relu(cluster_feats @ W_cluster)      # [NUM_CLUSTERS, D]
    centroid_confidences = jax.nn.sigmoid(centroid_feats @ W_conf)  # [NUM_CLUSTERS, 1]
    # instance_head: per-cluster descriptors, gathered back to voxels by inv_map
    inst_cluster = centroid_feats @ W_inst                       # [NUM_CLUSTERS, DESC]
    instance_F = jnp.take(inst_cluster, inv_map, axis=0) * ng_mask  # [N, DESC]
    return (semantic_output, centroid_scores, offsets, centroid_confidences, instance_F)

if __name__ == "__main__":
    import jax
    _d = setup_inputs()
    print(jax.jit(kernel)(*tuple(_d.values())))

</pallas_src>

<mosaic_0001>
#map = affine_map<(d0, d1) -> (0, 0)>
#map1 = affine_map<(d0, d1) -> (0, 0, 0)>
module attributes {stable_mosaic.version = 14 : i64} {
  func.func @_segsum_body(%arg0: i32, %arg1: i32, %arg2: memref<409600x128xf32, #tpu.memory_space<hbm>>, %arg3: memref<800x1x128xi32, #tpu.memory_space<hbm>>, %arg4: memref<800x1x128xi32, #tpu.memory_space<hbm>>, %arg5: memref<512x128xf32, #tpu.memory_space<hbm>>, %arg6: memref<128x128xf32, #tpu.memory_space<hbm>>, %arg7: memref<4x8192x128xf32, #tpu.memory_space<hbm>>, %arg8: memref<2x8192x128xf32, #tpu.memory_space<hbm>>, %arg9: memref<1x1x128xi32, #tpu.memory_space<vmem>>, %arg10: memref<1x1x128xi32, #tpu.memory_space<vmem>>, %arg11: memref<128x128xf32, #tpu.memory_space<vmem>>, %arg12: memref<128x128xf32, #tpu.memory_space<vmem>>, %arg13: memref<8200x128xf32, #tpu.memory_space<vmem_shared>>, %arg14: memref<!tpu.dma_semaphore, #tpu.memory_space<semaphore_mem>>, %arg15: memref<!tpu.dma_semaphore, #tpu.memory_space<semaphore_mem>>) attributes {dimension_semantics = [#tpu.dimension_semantics<core_parallel>, #tpu.dimension_semantics<subcore_parallel>], iteration_bounds = array<i64: 2, 16>, scalar_prefetch = 0 : i64, scratch_operands = 7 : i64, tpu.core_type = #tpu.core_type<sc_vector_subcore>, window_params = [{transform_indices = #map}, {transform_indices = #map1}, {transform_indices = #map1}, {transform_indices = #map}, {transform_indices = #map}, {transform_indices = #map1}, {transform_indices = #map1}]} {
    %mul3A = arith.constant 512 : i32
    %mul3A_0 = arith.muli %arg1, %mul3A : i32
    %scan3A = arith.constant 0 : i32
    %scan3A_1 = arith.constant 0 : i32
    %scan3A_2 = arith.constant 2 : i32
    %scan3A_3 = arith.addi %scan3A_1, %scan3A_2 : i32
    %scan3A_4 = arith.constant 1 : i32
    scf.for %scan3A_31 = %scan3A_1 to %scan3A_3 step %scan3A_4  : i32 {
      "tpu.region"() ({
        %run_scoped3A_79 = tpu.sem_alloc : memref<!tpu.dma_semaphore, #tpu.memory_space<semaphore_mem>>
        %dma_start3A_80 = arith.constant 0 : i32
        %dma_start3A_81 = tpu.memref_slice %arg13[%mul3A_0, %dma_start3A_80] : memref<8200x128xf32, #tpu.memory_space<vmem_shared>> -> memref<512x128xf32, #tpu.memory_space<vmem_shared>>
        tpu.enqueue_dma source(%arg5 : memref<512x128xf32, #tpu.memory_space<hbm>>) target(%dma_start3A_81 : memref<512x128xf32, #tpu.memory_space<vmem_shared>>) target_semaphore(%run_scoped3A_79 : memref<!tpu.dma_semaphore, #tpu.memory_space<semaphore_mem>>)
        %dma_wait3A_82 = arith.constant 0 : i32
        %dma_wait3A_83 = tpu.memref_slice %arg13[%mul3A_0, %dma_wait3A_82] : memref<8200x128xf32, #tpu.memory_space<vmem_shared>> -> memref<512x128xf32, #tpu.memory_space<vmem_shared>>
        tpu.wait_dma2 semaphore(%run_scoped3A_79 : memref<!tpu.dma_semaphore, #tpu.memory_space<semaphore_mem>>) src(%arg5 : memref<512x128xf32, #tpu.memory_space<hbm>>) dst(%dma_wait3A_83 : memref<512x128xf32, #tpu.memory_space<vmem_shared>>)
        tpu.yield
      }) : () -> ()
      %barrier3A_32 = arith.constant 0 : index
      tpu.barrier barrier_id(%barrier3A_32)
      %mul3A_33 = arith.constant 50 : i32
      %mul3A_34 = arith.muli %arg1, %mul3A_33 : i32
      %min3A_35 = arith.constant 799 : i32
      %min3A_36 = arith.minsi %mul3A_34, %min3A_35 : i32
      %dma_start3A_37 = arith.constant 0 : i32
      %dma_start3A_38 = arith.constant 0 : i32
      %dma_start3A_39 = tpu.memref_slice %arg4[%min3A_36, %dma_start3A_37, %dma_start3A_38] : memref<800x1x128xi32, #tpu.memory_space<hbm>> -> memref<1x1x128xi32, #tpu.memory_space<hbm>>
      %dma_start3A_40 = arith.constant 0 : i32
      %dma_start3A_41 = arith.constant 0 : i32
      %dma_start3A_42 = tpu.memref_slice %arg4[%min3A_36, %dma_start3A_40, %dma_start3A_41] : memref<800x1x128xi32, #tpu.memory_space<hbm>> -> memref<1x1x128xi32, #tpu.memory_space<hbm>>
      tpu.enqueue_dma source(%dma_start3A_42 : memref<1x1x128xi32, #tpu.memory_space<hbm>>) target(%arg9 : memref<1x1x128xi32, #tpu.memory_space<vmem>>) target_semaphore(%arg14 : memref<!tpu.dma_semaphore, #tpu.memory_space<semaphore_mem>>)
      %mul3A_43 = arith.constant 2 : i32
      %mul3A_44 = arith.muli %arg0, %mul3A_43 : i32
      %add3A_45 = arith.addi %mul3A_44, %scan3A_31 : i32
      %mul3A_46 = arith.constant 102400 : i32
      %mul3A_47 = arith.muli %add3A_45, %mul3A_46 : i32
      %mul3A_48 = arith.constant 128 : i32
      %mul3A_49 = arith.muli %min3A_36, %mul3A_48 : i32
      %add3A_50 = arith.addi %mul3A_47, %mul3A_49 : i32
      %dma_start3A_51 = arith.constant 0 : i32
      %dma_start3A_52 = tpu.memref_slice %arg2[%add3A_50, %dma_start3A_51] : memref<409600x128xf32, #tpu.memory_space<hbm>> -> memref<128x128xf32, #tpu.memory_space<hbm>>
      %dma_start3A_53 = arith.constant 0 : i32
      %dma_start3A_54 = tpu.memref_slice %arg2[%add3A_50, %dma_start3A_53] : memref<409600x128xf32, #tpu.memory_space<hbm>> -> memref<128x128xf32, #tpu.memory_space<hbm>>
      tpu.enqueue_dma source(%dma_start3A_54 : memref<128x128xf32, #tpu.memory_space<hbm>>) target(%arg11 : memref<128x128xf32, #tpu.memory_space<vmem>>) target_semaphore(%arg14 : memref<!tpu.dma_semaphore, #tpu.memory_space<semaphore_mem>>)
      %scan3A_55 = arith.constant 0 : i32
      %scan3A_56 = arith.constant 0 : i32
      %scan3A_57 = arith.constant 25 : i32
      %scan3A_58 = arith.addi %scan3A_56, %scan3A_57 : i32
      %scan3A_59 = arith.constant 1 : i32
      scf.for %scan3A_79 = %scan3A_56 to %scan3A_58 step %scan3A_59  : i32 {
        %mul3A_80 = arith.constant 2 : i32
        %mul3A_81 = arith.muli %mul3A_80, %scan3A_79 : i32
        %dma_wait3A_82 = arith.constant 0 : i32
        %dma_wait3A_83 = arith.constant 0 : i32
        %dma_wait3A_84 = arith.constant 0 : i32
        %dma_wait3A_85 = tpu.memref_slice %arg4[%dma_wait3A_82, %dma_wait3A_83, %dma_wait3A_84] : memref<800x1x128xi32, #tpu.memory_space<hbm>> -> memref<1x1x128xi32, #tpu.memory_space<hbm>>
        %dma_wait3A_86 = arith.constant 0 : i32
        %dma_wait3A_87 = arith.constant 0 : i32
        %dma_wait3A_88 = arith.constant 0 : i32
        %dma_wait3A_89 = tpu.memref_slice %arg4[%dma_wait3A_86, %dma_wait3A_87, %dma_wait3A_88] : memref<800x1x128xi32, #tpu.memory_space<hbm>> -> memref<1x1x128xi32, #tpu.memory_space<hbm>>
        tpu.wait_dma2 semaphore(%arg14 : memref<!tpu.dma_semaphore, #tpu.memory_space<semaphore_mem>>) src(%dma_wait3A_89 : memref<1x1x128xi32, #tpu.memory_space<hbm>>) dst(%arg9 : memref<1x1x128xi32, #tpu.memory_space<vmem>>)
        %dma_wait3A_90 = arith.constant 0 : i32
        %dma_wait3A_91 = arith.constant 0 : i32
        %dma_wait3A_92 = tpu.memref_slice %arg2[%dma_wait3A_90, %dma_wait3A_91] : memref<409600x128xf32, #tpu.memory_space<hbm>> -> memref<128x128xf32, #tpu.memory_space<hbm>>
        %dma_wait3A_93 = arith.constant 0 : i32
        %dma_wait3A_94 = arith.constant 0 : i32
        %dma_wait3A_95 = tpu.memref_slice %arg2[%dma_wait3A_93, %dma_wait3A_94] : memref<409600x128xf32, #tpu.memory_space<hbm>> -> memref<128x128xf32, #tpu.memory_space<hbm>>
        tpu.wait_dma2 semaphore(%arg14 : memref<!tpu.dma_semaphore, #tpu.memory_space<semaphore_mem>>) src(%dma_wait3A_95 : memref<128x128xf32, #tpu.memory_space<hbm>>) dst(%arg11 : memref<128x128xf32, #tpu.memory_space<vmem>>)
        %mul3A_96 = arith.constant 50 : i32
        %mul3A_97 = arith.muli %arg1, %mul3A_96 : i32
        %add3A_98 = arith.addi %mul3A_97, %mul3A_81 : i32
        %add3A_99 = arith.constant 1 : i32
        %add3A_100 = arith.addi %add3A_98, %add3A_99 : i32
        %min3A_101 = arith.constant 799 : i32
        %min3A_102 = arith.minsi %add3A_100, %min3A_101 : i32
        %dma_start3A_103 = arith.constant 0 : i32
        %dma_start3A_104 = arith.constant 0 : i32
        %dma_start3A_105 = tpu.memref_slice %arg4[%min3A_102, %dma_start3A_103, %dma_start3A_104] : memref<800x1x128xi32, #tpu.memory_space<hbm>> -> memref<1x1x128xi32, #tpu.memory_space<hbm>>
        %dma_start3A_106 = arith.constant 0 : i32
        %dma_start3A_107 = arith.constant 0 : i32
        %dma_start3A_108 = tpu.memref_slice %arg4[%min3A_102, %dma_start3A_106, %dma_start3A_107] : memref<800x1x128xi32, #tpu.memory_space<hbm>> -> memref<1x1x128xi32, #tpu.memory_space<hbm>>
        tpu.enqueue_dma source(%dma_start3A_108 : memref<1x1x128xi32, #tpu.memory_space<hbm>>) target(%arg10 : memref<1x1x128xi32, #tpu.memory_space<vmem>>) target_semaphore(%arg15 : memref<!tpu.dma_semaphore, #tpu.memory_space<semaphore_mem>>)
        %mul3A_109 = arith.constant 2 : i32
        %mul3A_110 = arith.muli %arg0, %mul3A_109 : i32
        %add3A_111 = arith.addi %mul3A_110, %scan3A_31 : i32
        %mul3A_112 = arith.constant 102400 : i32
        %mul3A_113 = arith.muli %add3A_111, %mul3A_112 : i32
        %mul3A_114 = arith.constant 128 : i32
        %mul3A_115 = arith.muli %min3A_102, %mul3A_114 : i32
        %add3A_116 = arith.addi %mul3A_113, %mul3A_115 : i32
        %dma_start3A_117 = arith.constant 0 : i32
        %dma_start3A_118 = tpu.memref_slice %arg2[%add3A_116, %dma_start3A_117] : memref<409600x128xf32, #tpu.memory_space<hbm>> -> memref<128x128xf32, #tpu.memory_space<hbm>>
        %dma_start3A_119 = arith.constant 0 : i32
        %dma_start3A_120 = tpu.memref_slice %arg2[%add3A_116, %dma_start3A_119] : memref<409600x128xf32, #tpu.memory_space<hbm>> -> memref<128x128xf32, #tpu.memory_space<hbm>>
        tpu.enqueue_dma source(%dma_start3A_120 : memref<128x128xf32, #tpu.memory_space<hbm>>) target(%arg12 : memref<128x128xf32, #tpu.memory_space<vmem>>) target_semaphore(%arg15 : memref<!tpu.dma_semaphore, #tpu.memory_space<semaphore_mem>>)
        %run_scoped3A_121 = arith.constant 0 : i32
        %run_scoped3A_122 = arith.constant 0 : i32
        "tpu.region"() ({
          %run_scoped3A_164 = tpu.sem_alloc : memref<!tpu.dma_semaphore, #tpu.memory_space<semaphore_mem>>
          %dma_start3A_165 = arith.constant 0 : i32
          %dma_start3A_166 = tpu.memref_slice %arg9[%run_scoped3A_121, %run_scoped3A_122, %dma_start3A_165] : memref<1x1x128xi32, #tpu.memory_space<vmem>> -> memref<1x1x128xi32, #tpu.memory_space<vmem>>
          %dma_start3A_167 = tpu.memref_squeeze %dma_start3A_166 : memref<1x1x128xi32, #tpu.memory_space<vmem>> -> memref<128xi32, #tpu.memory_space<vmem>>
          %dma_start3A_168 = arith.constant 0 : i32
          %dma_start3A_169 = arith.constant 0 : i32
          %dma_start3A_170 = tpu.memref_slice %arg13[%dma_start3A_168, %dma_start3A_169] : memref<8200x128xf32, #tpu.memory_space<vmem_shared>> -> memref<8200x128xf32, #tpu.memory_space<vmem_shared>>
          tpu.enqueue_indirect_dma source(%arg11 : memref<128x128xf32, #tpu.memory_space<vmem>>) target(%dma_start3A_170 : memref<8200x128xf32, #tpu.memory_space<vmem_shared>>) offsets(%dma_start3A_167 : memref<128xi32, #tpu.memory_space<vmem>>) semaphore(%run_scoped3A_164 : memref<!tpu.dma_semaphore, #tpu.memory_space<semaphore_mem>>) {add = true}
          %dma_wait3A_171 = arith.constant 0 : i32
          %dma_wait3A_172 = tpu.memref_slice %arg9[%run_scoped3A_121, %run_scoped3A_122, %dma_wait3A_171] : memref<1x1x128xi32, #tpu.memory_space<vmem>> -> memref<1x1x128xi32, #tpu.memory_space<vmem>>
          %dma_wait3A_173 = tpu.memref_squeeze %dma_wait3A_172 : memref<1x1x128xi32, #tpu.memory_space<vmem>> -> memref<128xi32, #tpu.memory_space<vmem>>
          %dma_wait3A_174 = arith.constant 0 : i32
          %dma_wait3A_175 = arith.constant 0 : i32
          %dma_wait3A_176 = tpu.memref_slice %arg13[%dma_wait3A_174, %dma_wait3A_175] : memref<8200x128xf32, #tpu.memory_space<vmem_shared>> -> memref<8200x128xf32, #tpu.memory_space<vmem_shared>>
          tpu.wait_indirect_dma semaphore(%run_scoped3A_164 : memref<!tpu.dma_semaphore, #tpu.memory_space<semaphore_mem>>) src(%arg11 : memref<128x128xf32, #tpu.memory_space<vmem>>) dst(%dma_wait3A_176 : memref<8200x128xf32, #tpu.memory_space<vmem_shared>>)
          tpu.yield
        }) : () -> ()
        %dma_wait3A_123 = arith.constant 0 : i32
        %dma_wait3A_124 = arith.constant 0 : i32
        %dma_wait3A_125 = arith.constant 0 : i32
        %dma_wait3A_126 = tpu.memref_slice %arg4[%dma_wait3A_123, %dma_wait3A_124, %dma_wait3A_125] : memref<800x1x128xi32, #tpu.memory_space<hbm>> -> memref<1x1x128xi32, #tpu.memory_space<hbm>>
        %dma_wait3A_127 = arith.constant 0 : i32
        %dma_wait3A_128 = arith.constant 0 : i32
        %dma_wait3A_129 = arith.constant 0 : i32
        %dma_wait3A_130 = tpu.memref_slice %arg4[%dma_wait3A_127, %dma_wait3A_128, %dma_wait3A_129] : memref<800x1x128xi32, #tpu.memory_space<hbm>> -> memref<1x1x128xi32, #tpu.memory_space<hbm>>
        tpu.wait_dma2 semaphore(%arg15 : memref<!tpu.dma_semaphore, #tpu.memory_space<semaphore_mem>>) src(%dma_wait3A_130 : memref<1x1x128xi32, #tpu.memory_space<hbm>>) dst(%arg10 : memref<1x1x128xi32, #tpu.memory_space<vmem>>)
        %dma_wait3A_131 = arith.constant 0 : i32
        %dma_wait3A_132 = arith.constant 0 : i32
        %dma_wait3A_133 = tpu.memref_slice %arg2[%dma_wait3A_131, %dma_wait3A_132] : memref<409600x128xf32, #tpu.memory_space<hbm>> -> memref<128x128xf32, #tpu.memory_space<hbm>>
        %dma_wait3A_134 = arith.constant 0 : i32
        %dma_wait3A_135 = arith.constant 0 : i32
        %dma_wait3A_136 = tpu.memref_slice %arg2[%dma_wait3A_134, %dma_wait3A_135] : memref<409600x128xf32, #tpu.memory_space<hbm>> -> memref<128x128xf32, #tpu.memory_space<hbm>>
        tpu.wait_dma2 semaphore(%arg15 : memref<!tpu.dma_semaphore, #tpu.memory_space<semaphore_mem>>) src(%dma_wait3A_136 : memref<128x128xf32, #tpu.memory_space<hbm>>) dst(%arg12 : memref<128x128xf32, #tpu.memory_space<vmem>>)
        %mul3A_137 = arith.constant 50 : i32
        %mul3A_138 = arith.muli %arg1, %mul3A_137 : i32
        %add3A_139 = arith.addi %mul3A_138, %mul3A_81 : i32
        %add3A_140 = arith.constant 2 : i32
        %add3A_141 = arith.addi %add3A_139, %add3A_140 : i32
        %min3A_142 = arith.constant 799 : i32
        %min3A_143 = arith.minsi %add3A_141, %min3A_142 : i32
        %dma_start3A_144 = arith.constant 0 : i32
        %dma_start3A_145 = arith.constant 0 : i32
        %dma_start3A_146 = tpu.memref_slice %arg4[%min3A_143, %dma_start3A_144, %dma_start3A_145] : memref<800x1x128xi32, #tpu.memory_space<hbm>> -> memref<1x1x128xi32, #tpu.memory_space<hbm>>
        %dma_start3A_147 = arith.constant 0 : i32
        %dma_start3A_148 = arith.constant 0 : i32
        %dma_start3A_149 = tpu.memref_slice %arg4[%min3A_143, %dma_start3A_147, %dma_start3A_148] : memref<800x1x128xi32, #tpu.memory_space<hbm>> -> memref<1x1x128xi32, #tpu.memory_space<hbm>>
        tpu.enqueue_dma source(%dma_start3A_149 : memref<1x1x128xi32, #tpu.memory_space<hbm>>) target(%arg9 : memref<1x1x128xi32, #tpu.memory_space<vmem>>) target_semaphore(%arg14 : memref<!tpu.dma_semaphore, #tpu.memory_space<semaphore_mem>>)
        %mul3A_150 = arith.constant 2 : i32
        %mul3A_151 = arith.muli %arg0, %mul3A_150 : i32
        %add3A_152 = arith.addi %mul3A_151, %scan3A_31 : i32
        %mul3A_153 = arith.constant 102400 : i32
        %mul3A_154 = arith.muli %add3A_152, %mul3A_153 : i32
        %mul3A_155 = arith.constant 128 : i32
        %mul3A_156 = arith.muli %min3A_143, %mul3A_155 : i32
        %add3A_157 = arith.addi %mul3A_154, %mul3A_156 : i32
        %dma_start3A_158 = arith.constant 0 : i32
        %dma_start3A_159 = tpu.memref_slice %arg2[%add3A_157, %dma_start3A_158] : memref<409600x128xf32, #tpu.memory_space<hbm>> -> memref<128x128xf32, #tpu.memory_space<hbm>>
        %dma_start3A_160 = arith.constant 0 : i32
        %dma_start3A_161 = tpu.memref_slice %arg2[%add3A_157, %dma_start3A_160] : memref<409600x128xf32, #tpu.memory_space<hbm>> -> memref<128x128xf32, #tpu.memory_space<hbm>>
        tpu.enqueue_dma source(%dma_start3A_161 : memref<128x128xf32, #tpu.memory_space<hbm>>) target(%arg11 : memref<128x128xf32, #tpu.memory_space<vmem>>) target_semaphore(%arg14 : memref<!tpu.dma_semaphore, #tpu.memory_space<semaphore_mem>>)
        %run_scoped3A_162 = arith.constant 0 : i32
        %run_scoped3A_163 = arith.constant 0 : i32
        "tpu.region"() ({
          %run_scoped3A_164 = tpu.sem_alloc : memref<!tpu.dma_semaphore, #tpu.memory_space<semaphore_mem>>
          %dma_start3A_165 = arith.constant 0 : i32
          %dma_start3A_166 = tpu.memref_slice %arg10[%run_scoped3A_162, %run_scoped3A_163, %dma_start3A_165] : memref<1x1x128xi32, #tpu.memory_space<vmem>> -> memref<1x1x128xi32, #tpu.memory_space<vmem>>
          %dma_start3A_167 = tpu.memref_squeeze %dma_start3A_166 : memref<1x1x128xi32, #tpu.memory_space<vmem>> -> memref<128xi32, #tpu.memory_space<vmem>>
          %dma_start3A_168 = arith.constant 0 : i32
          %dma_start3A_169 = arith.constant 0 : i32
          %dma_start3A_170 = tpu.memref_slice %arg13[%dma_start3A_168, %dma_start3A_169] : memref<8200x128xf32, #tpu.memory_space<vmem_shared>> -> memref<8200x128xf32, #tpu.memory_space<vmem_shared>>
          tpu.enqueue_indirect_dma source(%arg12 : memref<128x128xf32, #tpu.memory_space<vmem>>) target(%dma_start3A_170 : memref<8200x128xf32, #tpu.memory_space<vmem_shared>>) offsets(%dma_start3A_167 : memref<128xi32, #tpu.memory_space<vmem>>) semaphore(%run_scoped3A_164 : memref<!tpu.dma_semaphore, #tpu.memory_space<semaphore_mem>>) {add = true}
          %dma_wait3A_171 = arith.constant 0 : i32
          %dma_wait3A_172 = tpu.memref_slice %arg10[%run_scoped3A_162, %run_scoped3A_163, %dma_wait3A_171] : memref<1x1x128xi32, #tpu.memory_space<vmem>> -> memref<1x1x128xi32, #tpu.memory_space<vmem>>
          %dma_wait3A_173 = tpu.memref_squeeze %dma_wait3A_172 : memref<1x1x128xi32, #tpu.memory_space<vmem>> -> memref<128xi32, #tpu.memory_space<vmem>>
          %dma_wait3A_174 = arith.constant 0 : i32
          %dma_wait3A_175 = arith.constant 0 : i32
          %dma_wait3A_176 = tpu.memref_slice %arg13[%dma_wait3A_174, %dma_wait3A_175] : memref<8200x128xf32, #tpu.memory_space<vmem_shared>> -> memref<8200x128xf32, #tpu.memory_space<vmem_shared>>
          tpu.wait_indirect_dma semaphore(%run_scoped3A_164 : memref<!tpu.dma_semaphore, #tpu.memory_space<semaphore_mem>>) src(%arg12 : memref<128x128xf32, #tpu.memory_space<vmem>>) dst(%dma_wait3A_176 : memref<8200x128xf32, #tpu.memory_space<vmem_shared>>)
          tpu.yield
        }) : () -> ()
      }
      %scan3A_60 = arith.constant 25 : i32
      %dma_wait3A_61 = arith.constant 0 : i32
      %dma_wait3A_62 = arith.constant 0 : i32
      %dma_wait3A_63 = arith.constant 0 : i32
      %dma_wait3A_64 = tpu.memref_slice %arg4[%dma_wait3A_61, %dma_wait3A_62, %dma_wait3A_63] : memref<800x1x128xi32, #tpu.memory_space<hbm>> -> memref<1x1x128xi32, #tpu.memory_space<hbm>>
      %dma_wait3A_65 = arith.constant 0 : i32
      %dma_wait3A_66 = arith.constant 0 : i32
      %dma_wait3A_67 = arith.constant 0 : i32
      %dma_wait3A_68 = tpu.memref_slice %arg4[%dma_wait3A_65, %dma_wait3A_66, %dma_wait3A_67] : memref<800x1x128xi32, #tpu.memory_space<hbm>> -> memref<1x1x128xi32, #tpu.memory_space<hbm>>
      tpu.wait_dma2 semaphore(%arg14 : memref<!tpu.dma_semaphore, #tpu.memory_space<semaphore_mem>>) src(%dma_wait3A_68 : memref<1x1x128xi32, #tpu.memory_space<hbm>>) dst(%arg9 : memref<1x1x128xi32, #tpu.memory_space<vmem>>)
      %dma_wait3A_69 = arith.constant 0 : i32
      %dma_wait3A_70 = arith.constant 0 : i32
      %dma_wait3A_71 = tpu.memref_slice %arg2[%dma_wait3A_69, %dma_wait3A_70] : memref<409600x128xf32, #tpu.memory_space<hbm>> -> memref<128x128xf32, #tpu.memory_space<hbm>>
      %dma_wait3A_72 = arith.constant 0 : i32
      %dma_wait3A_73 = arith.constant 0 : i32
      %dma_wait3A_74 = tpu.memref_slice %arg2[%dma_wait3A_72, %dma_wait3A_73] : memref<409600x128xf32, #tpu.memory_space<hbm>> -> memref<128x128xf32, #tpu.memory_space<hbm>>
      tpu.wait_dma2 semaphore(%arg14 : memref<!tpu.dma_semaphore, #tpu.memory_space<semaphore_mem>>) src(%dma_wait3A_74 : memref<128x128xf32, #tpu.memory_space<hbm>>) dst(%arg11 : memref<128x128xf32, #tpu.memory_space<vmem>>)
      %barrier3A_75 = arith.constant 0 : index
      tpu.barrier barrier_id(%barrier3A_75)
      %mul3A_76 = arith.constant 2 : i32
      %mul3A_77 = arith.muli %arg0, %mul3A_76 : i32
      %add3A_78 = arith.addi %mul3A_77, %scan3A_31 : i32
      "tpu.region"() ({
        %run_scoped3A_79 = tpu.sem_alloc : memref<!tpu.dma_semaphore, #tpu.memory_space<semaphore_mem>>
        %dma_start3A_80 = arith.constant 0 : i32
        %dma_start3A_81 = tpu.memref_slice %arg7[%add3A_78, %mul3A_0, %dma_start3A_80] : memref<4x8192x128xf32, #tpu.memory_space<hbm>> -> memref<1x512x128xf32, #tpu.memory_space<hbm>>
        %dma_start3A_82 = tpu.memref_squeeze %dma_start3A_81 : memref<1x512x128xf32, #tpu.memory_space<hbm>> -> memref<512x128xf32, #tpu.memory_space<hbm>>
        %dma_start3A_83 = arith.constant 0 : i32
        %dma_start3A_84 = tpu.memref_slice %arg13[%mul3A_0, %dma_start3A_83] : memref<8200x128xf32, #tpu.memory_space<vmem_shared>> -> memref<512x128xf32, #tpu.memory_space<vmem_shared>>
        tpu.enqueue_dma source(%dma_start3A_84 : memref<512x128xf32, #tpu.memory_space<vmem_shared>>) target(%dma_start3A_82 : memref<512x128xf32, #tpu.memory_space<hbm>>) target_semaphore(%run_scoped3A_79 : memref<!tpu.dma_semaphore, #tpu.memory_space<semaphore_mem>>)
        %dma_wait3A_85 = arith.constant 0 : i32
        %dma_wait3A_86 = tpu.memref_slice %arg7[%add3A_78, %mul3A_0, %dma_wait3A_85] : memref<4x8192x128xf32, #tpu.memory_space<hbm>> -> memref<1x512x128xf32, #tpu.memory_space<hbm>>
        %dma_wait3A_87 = tpu.memref_squeeze %dma_wait3A_86 : memref<1x512x128xf32, #tpu.memory_space<hbm>> -> memref<512x128xf32, #tpu.memory_space<hbm>>
        %dma_wait3A_88 = arith.constant 0 : i32
        %dma_wait3A_89 = tpu.memref_slice %arg13[%mul3A_0, %dma_wait3A_88] : memref<8200x128xf32, #tpu.memory_space<vmem_shared>> -> memref<512x128xf32, #tpu.memory_space<vmem_shared>>
        tpu.wait_dma2 semaphore(%run_scoped3A_79 : memref<!tpu.dma_semaphore, #tpu.memory_space<semaphore_mem>>) src(%dma_wait3A_89 : memref<512x128xf32, #tpu.memory_space<vmem_shared>>) dst(%dma_wait3A_87 : memref<512x128xf32, #tpu.memory_space<hbm>>)
        tpu.yield
      }) : () -> ()
    }
    %scan3A_5 = arith.constant 2 : i32
    "tpu.region"() ({
      %run_scoped3A_31 = tpu.sem_alloc : memref<!tpu.dma_semaphore, #tpu.memory_space<semaphore_mem>>
      %dma_start3A_32 = arith.constant 0 : i32
      %dma_start3A_33 = tpu.memref_slice %arg13[%mul3A_0, %dma_start3A_32] : memref<8200x128xf32, #tpu.memory_space<vmem_shared>> -> memref<512x128xf32, #tpu.memory_space<vmem_shared>>
      tpu.enqueue_dma source(%arg5 : memref<512x128xf32, #tpu.memory_space<hbm>>) target(%dma_start3A_33 : memref<512x128xf32, #tpu.memory_space<vmem_shared>>) target_semaphore(%run_scoped3A_31 : memref<!tpu.dma_semaphore, #tpu.memory_space<semaphore_mem>>)
      %dma_wait3A_34 = arith.constant 0 : i32
      %dma_wait3A_35 = tpu.memref_slice %arg13[%mul3A_0, %dma_wait3A_34] : memref<8200x128xf32, #tpu.memory_space<vmem_shared>> -> memref<512x128xf32, #tpu.memory_space<vmem_shared>>
      tpu.wait_dma2 semaphore(%run_scoped3A_31 : memref<!tpu.dma_semaphore, #tpu.memory_space<semaphore_mem>>) src(%arg5 : memref<512x128xf32, #tpu.memory_space<hbm>>) dst(%dma_wait3A_35 : memref<512x128xf32, #tpu.memory_space<vmem_shared>>)
      tpu.yield
    }) : () -> ()
    %barrier3A = arith.constant 0 : index
    tpu.barrier barrier_id(%barrier3A)
    "tpu.region"() ({
      %run_scoped3A_31 = tpu.sem_alloc : memref<!tpu.dma_semaphore, #tpu.memory_space<semaphore_mem>>
      tpu.enqueue_dma source(%arg6 : memref<128x128xf32, #tpu.memory_space<hbm>>) target(%arg11 : memref<128x128xf32, #tpu.memory_space<vmem>>) target_semaphore(%run_scoped3A_31 : memref<!tpu.dma_semaphore, #tpu.memory_space<semaphore_mem>>)
      tpu.wait_dma2 semaphore(%run_scoped3A_31 : memref<!tpu.dma_semaphore, #tpu.memory_space<semaphore_mem>>) src(%arg6 : memref<128x128xf32, #tpu.memory_space<hbm>>) dst(%arg11 : memref<128x128xf32, #tpu.memory_space<vmem>>)
      tpu.yield
    }) : () -> ()
    %mul3A_6 = arith.constant 400 : i32
    %mul3A_7 = arith.muli %arg0, %mul3A_6 : i32
    %mul3A_8 = arith.constant 25 : i32
    %mul3A_9 = arith.muli %arg1, %mul3A_8 : i32
    %add3A = arith.addi %mul3A_7, %mul3A_9 : i32
    %min3A = arith.constant 799 : i32
    %min3A_10 = arith.minsi %add3A, %min3A : i32
    %dma_start3A = arith.constant 0 : i32
    %dma_start3A_11 = arith.constant 0 : i32
    %dma_start3A_12 = tpu.memref_slice %arg3[%min3A_10, %dma_start3A, %dma_start3A_11] : memref<800x1x128xi32, #tpu.memory_space<hbm>> -> memref<1x1x128xi32, #tpu.memory_space<hbm>>
    %dma_start3A_13 = arith.constant 0 : i32
    %dma_start3A_14 = arith.constant 0 : i32
    %dma_start3A_15 = tpu.memref_slice %arg3[%min3A_10, %dma_start3A_13, %dma_start3A_14] : memref<800x1x128xi32, #tpu.memory_space<hbm>> -> memref<1x1x128xi32, #tpu.memory_space<hbm>>
    tpu.enqueue_dma source(%dma_start3A_15 : memref<1x1x128xi32, #tpu.memory_space<hbm>>) target(%arg9 : memref<1x1x128xi32, #tpu.memory_space<vmem>>) target_semaphore(%arg14 : memref<!tpu.dma_semaphore, #tpu.memory_space<semaphore_mem>>)
    %scan3A_16 = arith.constant 0 : i32
    %scan3A_17 = arith.constant 0 : i32
    %scan3A_18 = arith.constant 12 : i32
    %scan3A_19 = arith.addi %scan3A_17, %scan3A_18 : i32
    %scan3A_20 = arith.constant 1 : i32
    scf.for %scan3A_31 = %scan3A_17 to %scan3A_19 step %scan3A_20  : i32 {
      %mul3A_32 = arith.constant 2 : i32
      %mul3A_33 = arith.muli %mul3A_32, %scan3A_31 : i32
      %dma_wait3A_34 = arith.constant 0 : i32
      %dma_wait3A_35 = arith.constant 0 : i32
      %dma_wait3A_36 = arith.constant 0 : i32
      %dma_wait3A_37 = tpu.memref_slice %arg3[%dma_wait3A_34, %dma_wait3A_35, %dma_wait3A_36] : memref<800x1x128xi32, #tpu.memory_space<hbm>> -> memref<1x1x128xi32, #tpu.memory_space<hbm>>
      %dma_wait3A_38 = arith.constant 0 : i32
      %dma_wait3A_39 = arith.constant 0 : i32
      %dma_wait3A_40 = arith.constant 0 : i32
      %dma_wait3A_41 = tpu.memref_slice %arg3[%dma_wait3A_38, %dma_wait3A_39, %dma_wait3A_40] : memref<800x1x128xi32, #tpu.memory_space<hbm>> -> memref<1x1x128xi32, #tpu.memory_space<hbm>>
      tpu.wait_dma2 semaphore(%arg14 : memref<!tpu.dma_semaphore, #tpu.memory_space<semaphore_mem>>) src(%dma_wait3A_41 : memref<1x1x128xi32, #tpu.memory_space<hbm>>) dst(%arg9 : memref<1x1x128xi32, #tpu.memory_space<vmem>>)
      %add3A_42 = arith.addi %add3A, %mul3A_33 : i32
      %add3A_43 = arith.constant 1 : i32
      %add3A_44 = arith.addi %add3A_42, %add3A_43 : i32
      %min3A_45 = arith.constant 799 : i32
      %min3A_46 = arith.minsi %add3A_44, %min3A_45 : i32
      %dma_start3A_47 = arith.constant 0 : i32
      %dma_start3A_48 = arith.constant 0 : i32
      %dma_start3A_49 = tpu.memref_slice %arg3[%min3A_46, %dma_start3A_47, %dma_start3A_48] : memref<800x1x128xi32, #tpu.memory_space<hbm>> -> memref<1x1x128xi32, #tpu.memory_space<hbm>>
      %dma_start3A_50 = arith.constant 0 : i32
      %dma_start3A_51 = arith.constant 0 : i32
      %dma_start3A_52 = tpu.memref_slice %arg3[%min3A_46, %dma_start3A_50, %dma_start3A_51] : memref<800x1x128xi32, #tpu.memory_space<hbm>> -> memref<1x1x128xi32, #tpu.memory_space<hbm>>
      tpu.enqueue_dma source(%dma_start3A_52 : memref<1x1x128xi32, #tpu.memory_space<hbm>>) target(%arg10 : memref<1x1x128xi32, #tpu.memory_space<vmem>>) target_semaphore(%arg15 : memref<!tpu.dma_semaphore, #tpu.memory_space<semaphore_mem>>)
      %run_scoped3A_53 = arith.constant 0 : i32
      %run_scoped3A_54 = arith.constant 0 : i32
      "tpu.region"() ({
        %run_scoped3A_76 = tpu.sem_alloc : memref<!tpu.dma_semaphore, #tpu.memory_space<semaphore_mem>>
        %dma_start3A_77 = arith.constant 0 : i32
        %dma_start3A_78 = tpu.memref_slice %arg9[%run_scoped3A_53, %run_scoped3A_54, %dma_start3A_77] : memref<1x1x128xi32, #tpu.memory_space<vmem>> -> memref<1x1x128xi32, #tpu.memory_space<vmem>>
        %dma_start3A_79 = tpu.memref_squeeze %dma_start3A_78 : memref<1x1x128xi32, #tpu.memory_space<vmem>> -> memref<128xi32, #tpu.memory_space<vmem>>
        %dma_start3A_80 = arith.constant 0 : i32
        %dma_start3A_81 = arith.constant 0 : i32
        %dma_start3A_82 = tpu.memref_slice %arg13[%dma_start3A_80, %dma_start3A_81] : memref<8200x128xf32, #tpu.memory_space<vmem_shared>> -> memref<8200x128xf32, #tpu.memory_space<vmem_shared>>
        tpu.enqueue_indirect_dma source(%arg11 : memref<128x128xf32, #tpu.memory_space<vmem>>) target(%dma_start3A_82 : memref<8200x128xf32, #tpu.memory_space<vmem_shared>>) offsets(%dma_start3A_79 : memref<128xi32, #tpu.memory_space<vmem>>) semaphore(%run_scoped3A_76 : memref<!tpu.dma_semaphore, #tpu.memory_space<semaphore_mem>>) {add = true}
        %dma_wait3A_83 = arith.constant 0 : i32
        %dma_wait3A_84 = tpu.memref_slice %arg9[%run_scoped3A_53, %run_scoped3A_54, %dma_wait3A_83] : memref<1x1x128xi32, #tpu.memory_space<vmem>> -> memref<1x1x128xi32, #tpu.memory_space<vmem>>
        %dma_wait3A_85 = tpu.memref_squeeze %dma_wait3A_84 : memref<1x1x128xi32, #tpu.memory_space<vmem>> -> memref<128xi32, #tpu.memory_space<vmem>>
        %dma_wait3A_86 = arith.constant 0 : i32
        %dma_wait3A_87 = arith.constant 0 : i32
        %dma_wait3A_88 = tpu.memref_slice %arg13[%dma_wait3A_86, %dma_wait3A_87] : memref<8200x128xf32, #tpu.memory_space<vmem_shared>> -> memref<8200x128xf32, #tpu.memory_space<vmem_shared>>
        tpu.wait_indirect_dma semaphore(%run_scoped3A_76 : memref<!tpu.dma_semaphore, #tpu.memory_space<semaphore_mem>>) src(%arg11 : memref<128x128xf32, #tpu.memory_space<vmem>>) dst(%dma_wait3A_88 : memref<8200x128xf32, #tpu.memory_space<vmem_shared>>)
        tpu.yield
      }) : () -> ()
      %dma_wait3A_55 = arith.constant 0 : i32
      %dma_wait3A_56 = arith.constant 0 : i32
      %dma_wait3A_57 = arith.constant 0 : i32
      %dma_wait3A_58 = tpu.memref_slice %arg3[%dma_wait3A_55, %dma_wait3A_56, %dma_wait3A_57] : memref<800x1x128xi32, #tpu.memory_space<hbm>> -> memref<1x1x128xi32, #tpu.memory_space<hbm>>
      %dma_wait3A_59 = arith.constant 0 : i32
      %dma_wait3A_60 = arith.constant 0 : i32
      %dma_wait3A_61 = arith.constant 0 : i32
      %dma_wait3A_62 = tpu.memref_slice %arg3[%dma_wait3A_59, %dma_wait3A_60, %dma_wait3A_61] : memref<800x1x128xi32, #tpu.memory_space<hbm>> -> memref<1x1x128xi32, #tpu.memory_space<hbm>>
      tpu.wait_dma2 semaphore(%arg15 : memref<!tpu.dma_semaphore, #tpu.memory_space<semaphore_mem>>) src(%dma_wait3A_62 : memref<1x1x128xi32, #tpu.memory_space<hbm>>) dst(%arg10 : memref<1x1x128xi32, #tpu.memory_space<vmem>>)
      %add3A_63 = arith.addi %add3A, %mul3A_33 : i32
      %add3A_64 = arith.constant 2 : i32
      %add3A_65 = arith.addi %add3A_63, %add3A_64 : i32
      %min3A_66 = arith.constant 799 : i32
      %min3A_67 = arith.minsi %add3A_65, %min3A_66 : i32
      %dma_start3A_68 = arith.constant 0 : i32
      %dma_start3A_69 = arith.constant 0 : i32
      %dma_start3A_70 = tpu.memref_slice %arg3[%min3A_67, %dma_start3A_68, %dma_start3A_69] : memref<800x1x128xi32, #tpu.memory_space<hbm>> -> memref<1x1x128xi32, #tpu.memory_space<hbm>>
      %dma_start3A_71 = arith.constant 0 : i32
      %dma_start3A_72 = arith.constant 0 : i32
      %dma_start3A_73 = tpu.memref_slice %arg3[%min3A_67, %dma_start3A_71, %dma_start3A_72] : memref<800x1x128xi32, #tpu.memory_space<hbm>> -> memref<1x1x128xi32, #tpu.memory_space<hbm>>
      tpu.enqueue_dma source(%dma_start3A_73 : memref<1x1x128xi32, #tpu.memory_space<hbm>>) target(%arg9 : memref<1x1x128xi32, #tpu.memory_space<vmem>>) target_semaphore(%arg14 : memref<!tpu.dma_semaphore, #tpu.memory_space<semaphore_mem>>)
      %run_scoped3A_74 = arith.constant 0 : i32
      %run_scoped3A_75 = arith.constant 0 : i32
      "tpu.region"() ({
        %run_scoped3A_76 = tpu.sem_alloc : memref<!tpu.dma_semaphore, #tpu.memory_space<semaphore_mem>>
        %dma_start3A_77 = arith.constant 0 : i32
        %dma_start3A_78 = tpu.memref_slice %arg10[%run_scoped3A_74, %run_scoped3A_75, %dma_start3A_77] : memref<1x1x128xi32, #tpu.memory_space<vmem>> -> memref<1x1x128xi32, #tpu.memory_space<vmem>>
        %dma_start3A_79 = tpu.memref_squeeze %dma_start3A_78 : memref<1x1x128xi32, #tpu.memory_space<vmem>> -> memref<128xi32, #tpu.memory_space<vmem>>
        %dma_start3A_80 = arith.constant 0 : i32
        %dma_start3A_81 = arith.constant 0 : i32
        %dma_start3A_82 = tpu.memref_slice %arg13[%dma_start3A_80, %dma_start3A_81] : memref<8200x128xf32, #tpu.memory_space<vmem_shared>> -> memref<8200x128xf32, #tpu.memory_space<vmem_shared>>
        tpu.enqueue_indirect_dma source(%arg11 : memref<128x128xf32, #tpu.memory_space<vmem>>) target(%dma_start3A_82 : memref<8200x128xf32, #tpu.memory_space<vmem_shared>>) offsets(%dma_start3A_79 : memref<128xi32, #tpu.memory_space<vmem>>) semaphore(%run_scoped3A_76 : memref<!tpu.dma_semaphore, #tpu.memory_space<semaphore_mem>>) {add = true}
        %dma_wait3A_83 = arith.constant 0 : i32
        %dma_wait3A_84 = tpu.memref_slice %arg10[%run_scoped3A_74, %run_scoped3A_75, %dma_wait3A_83] : memref<1x1x128xi32, #tpu.memory_space<vmem>> -> memref<1x1x128xi32, #tpu.memory_space<vmem>>
        %dma_wait3A_85 = tpu.memref_squeeze %dma_wait3A_84 : memref<1x1x128xi32, #tpu.memory_space<vmem>> -> memref<128xi32, #tpu.memory_space<vmem>>
        %dma_wait3A_86 = arith.constant 0 : i32
        %dma_wait3A_87 = arith.constant 0 : i32
        %dma_wait3A_88 = tpu.memref_slice %arg13[%dma_wait3A_86, %dma_wait3A_87] : memref<8200x128xf32, #tpu.memory_space<vmem_shared>> -> memref<8200x128xf32, #tpu.memory_space<vmem_shared>>
        tpu.wait_indirect_dma semaphore(%run_scoped3A_76 : memref<!tpu.dma_semaphore, #tpu.memory_space<semaphore_mem>>) src(%arg11 : memref<128x128xf32, #tpu.memory_space<vmem>>) dst(%dma_wait3A_88 : memref<8200x128xf32, #tpu.memory_space<vmem_shared>>)
        tpu.yield
      }) : () -> ()
    }
    %scan3A_21 = arith.constant 12 : i32
    %dma_wait3A = arith.constant 0 : i32
    %dma_wait3A_22 = arith.constant 0 : i32
    %dma_wait3A_23 = arith.constant 0 : i32
    %dma_wait3A_24 = tpu.memref_slice %arg3[%dma_wait3A, %dma_wait3A_22, %dma_wait3A_23] : memref<800x1x128xi32, #tpu.memory_space<hbm>> -> memref<1x1x128xi32, #tpu.memory_space<hbm>>
    %dma_wait3A_25 = arith.constant 0 : i32
    %dma_wait3A_26 = arith.constant 0 : i32
    %dma_wait3A_27 = arith.constant 0 : i32
    %dma_wait3A_28 = tpu.memref_slice %arg3[%dma_wait3A_25, %dma_wait3A_26, %dma_wait3A_27] : memref<800x1x128xi32, #tpu.memory_space<hbm>> -> memref<1x1x128xi32, #tpu.memory_space<hbm>>
    tpu.wait_dma2 semaphore(%arg14 : memref<!tpu.dma_semaphore, #tpu.memory_space<semaphore_mem>>) src(%dma_wait3A_28 : memref<1x1x128xi32, #tpu.memory_space<hbm>>) dst(%arg9 : memref<1x1x128xi32, #tpu.memory_space<vmem>>)
    %run_scoped3A = arith.constant 0 : i32
    %run_scoped3A_29 = arith.constant 0 : i32
    "tpu.region"() ({
      %run_scoped3A_31 = tpu.sem_alloc : memref<!tpu.dma_semaphore, #tpu.memory_space<semaphore_mem>>
      %dma_start3A_32 = arith.constant 0 : i32
      %dma_start3A_33 = tpu.memref_slice %arg9[%run_scoped3A, %run_scoped3A_29, %dma_start3A_32] : memref<1x1x128xi32, #tpu.memory_space<vmem>> -> memref<1x1x128xi32, #tpu.memory_space<vmem>>
      %dma_start3A_34 = tpu.memref_squeeze %dma_start3A_33 : memref<1x1x128xi32, #tpu.memory_space<vmem>> -> memref<128xi32, #tpu.memory_space<vmem>>
      %dma_start3A_35 = arith.constant 0 : i32
      %dma_start3A_36 = arith.constant 0 : i32
      %dma_start3A_37 = tpu.memref_slice %arg13[%dma_start3A_35, %dma_start3A_36] : memref<8200x128xf32, #tpu.memory_space<vmem_shared>> -> memref<8200x128xf32, #tpu.memory_space<vmem_shared>>
      tpu.enqueue_indirect_dma source(%arg11 : memref<128x128xf32, #tpu.memory_space<vmem>>) target(%dma_start3A_37 : memref<8200x128xf32, #tpu.memory_space<vmem_shared>>) offsets(%dma_start3A_34 : memref<128xi32, #tpu.memory_space<vmem>>) semaphore(%run_scoped3A_31 : memref<!tpu.dma_semaphore, #tpu.memory_space<semaphore_mem>>) {add = true}
      %dma_wait3A_38 = arith.constant 0 : i32
      %dma_wait3A_39 = tpu.memref_slice %arg9[%run_scoped3A, %run_scoped3A_29, %dma_wait3A_38] : memref<1x1x128xi32, #tpu.memory_space<vmem>> -> memref<1x1x128xi32, #tpu.memory_space<vmem>>
      %dma_wait3A_40 = tpu.memref_squeeze %dma_wait3A_39 : memref<1x1x128xi32, #tpu.memory_space<vmem>> -> memref<128xi32, #tpu.memory_space<vmem>>
      %dma_wait3A_41 = arith.constant 0 : i32
      %dma_wait3A_42 = arith.constant 0 : i32
      %dma_wait3A_43 = tpu.memref_slice %arg13[%dma_wait3A_41, %dma_wait3A_42] : memref<8200x128xf32, #tpu.memory_space<vmem_shared>> -> memref<8200x128xf32, #tpu.memory_space<vmem_shared>>
      tpu.wait_indirect_dma semaphore(%run_scoped3A_31 : memref<!tpu.dma_semaphore, #tpu.memory_space<semaphore_mem>>) src(%arg11 : memref<128x128xf32, #tpu.memory_space<vmem>>) dst(%dma_wait3A_43 : memref<8200x128xf32, #tpu.memory_space<vmem_shared>>)
      tpu.yield
    }) : () -> ()
    %barrier3A_30 = arith.constant 0 : index
    tpu.barrier barrier_id(%barrier3A_30)
    "tpu.region"() ({
      %run_scoped3A_31 = tpu.sem_alloc : memref<!tpu.dma_semaphore, #tpu.memory_space<semaphore_mem>>
      %dma_start3A_32 = arith.constant 0 : i32
      %dma_start3A_33 = tpu.memref_slice %arg8[%arg0, %mul3A_0, %dma_start3A_32] : memref<2x8192x128xf32, #tpu.memory_space<hbm>> -> memref<1x512x128xf32, #tpu.memory_space<hbm>>
      %dma_start3A_34 = tpu.memref_squeeze %dma_start3A_33 : memref<1x512x128xf32, #tpu.memory_space<hbm>> -> memref<512x128xf32, #tpu.memory_space<hbm>>
      %dma_start3A_35 = arith.constant 0 : i32
      %dma_start3A_36 = tpu.memref_slice %arg13[%mul3A_0, %dma_start3A_35] : memref<8200x128xf32, #tpu.memory_space<vmem_shared>> -> memref<512x128xf32, #tpu.memory_space<vmem_shared>>
      tpu.enqueue_dma source(%dma_start3A_36 : memref<512x128xf32, #tpu.memory_space<vmem_shared>>) target(%dma_start3A_34 : memref<512x128xf32, #tpu.memory_space<hbm>>) target_semaphore(%run_scoped3A_31 : memref<!tpu.dma_semaphore, #tpu.memory_space<semaphore_mem>>)
      %dma_wait3A_37 = arith.constant 0 : i32
      %dma_wait3A_38 = tpu.memref_slice %arg8[%arg0, %mul3A_0, %dma_wait3A_37] : memref<2x8192x128xf32, #tpu.memory_space<hbm>> -> memref<1x512x128xf32, #tpu.memory_space<hbm>>
      %dma_wait3A_39 = tpu.memref_squeeze %dma_wait3A_38 : memref<1x512x128xf32, #tpu.memory_space<hbm>> -> memref<512x128xf32, #tpu.memory_space<hbm>>
      %dma_wait3A_40 = arith.constant 0 : i32
      %dma_wait3A_41 = tpu.memref_slice %arg13[%mul3A_0, %dma_wait3A_40] : memref<8200x128xf32, #tpu.memory_space<vmem_shared>> -> memref<512x128xf32, #tpu.memory_space<vmem_shared>>
      tpu.wait_dma2 semaphore(%run_scoped3A_31 : memref<!tpu.dma_semaphore, #tpu.memory_space<semaphore_mem>>) src(%dma_wait3A_41 : memref<512x128xf32, #tpu.memory_space<vmem_shared>>) dst(%dma_wait3A_39 : memref<512x128xf32, #tpu.memory_space<hbm>>)
      tpu.yield
    }) : () -> ()
    return
  }
}

#map = affine_map<(d0, d1) -> (0, 0)>
#map1 = affine_map<(d0, d1) -> (0, 0, 0)>
module attributes {stable_mosaic.version = 14 : i64} {
  func.func @_gather_body(%arg0: i32, %arg1: i32, %arg2: memref<8200x128xf32, #tpu.memory_space<hbm>>, %arg3: memref<800x1x128xi32, #tpu.memory_space<hbm>>, %arg4: memref<102400x128xf32, #tpu.memory_space<hbm>>, %arg5: memref<5x1x128xi32, #tpu.memory_space<vmem>>, %arg6: memref<640x128xf32, #tpu.memory_space<vmem>>, %arg7: memref<!tpu.dma_semaphore, #tpu.memory_space<semaphore_mem>>) attributes {dimension_semantics = [#tpu.dimension_semantics<core_parallel>, #tpu.dimension_semantics<subcore_parallel>], iteration_bounds = array<i64: 2, 16>, scalar_prefetch = 0 : i64, scratch_operands = 3 : i64, tpu.core_type = #tpu.core_type<sc_vector_subcore>, window_params = [{transform_indices = #map}, {transform_indices = #map1}, {transform_indices = #map}]} {
    %mul3A = arith.constant 2 : i32
    %mul3A_0 = arith.muli %arg1, %mul3A : i32
    %add3A = arith.addi %mul3A_0, %arg0 : i32
    %scan3A = arith.constant 0 : i32
    %scan3A_1 = arith.constant 0 : i32
    %scan3A_2 = arith.constant 5 : i32
    %scan3A_3 = arith.addi %scan3A_1, %scan3A_2 : i32
    %scan3A_4 = arith.constant 1 : i32
    scf.for %scan3A_6 = %scan3A_1 to %scan3A_3 step %scan3A_4  : i32 {
      %mul3A_7 = arith.constant 25 : i32
      %mul3A_8 = arith.muli %add3A, %mul3A_7 : i32
      %mul3A_9 = arith.constant 5 : i32
      %mul3A_10 = arith.muli %scan3A_6, %mul3A_9 : i32
      %add3A_11 = arith.addi %mul3A_8, %mul3A_10 : i32
      "tpu.region"() ({
        %run_scoped3A = tpu.sem_alloc : memref<!tpu.dma_semaphore, #tpu.memory_space<semaphore_mem>>
        %dma_start3A_122 = arith.constant 0 : i32
        %dma_start3A_123 = arith.constant 0 : i32
        %dma_start3A_124 = tpu.memref_slice %arg3[%add3A_11, %dma_start3A_122, %dma_start3A_123] : memref<800x1x128xi32, #tpu.memory_space<hbm>> -> memref<5x1x128xi32, #tpu.memory_space<hbm>>
        %dma_start3A_125 = arith.constant 0 : i32
        %dma_start3A_126 = arith.constant 0 : i32
        %dma_start3A_127 = tpu.memref_slice %arg3[%add3A_11, %dma_start3A_125, %dma_start3A_126] : memref<800x1x128xi32, #tpu.memory_space<hbm>> -> memref<5x1x128xi32, #tpu.memory_space<hbm>>
        tpu.enqueue_dma source(%dma_start3A_127 : memref<5x1x128xi32, #tpu.memory_space<hbm>>) target(%arg5 : memref<5x1x128xi32, #tpu.memory_space<vmem>>) target_semaphore(%run_scoped3A : memref<!tpu.dma_semaphore, #tpu.memory_space<semaphore_mem>>)
        %dma_wait3A_128 = arith.constant 0 : i32
        %dma_wait3A_129 = arith.constant 0 : i32
        %dma_wait3A_130 = tpu.memref_slice %arg3[%add3A_11, %dma_wait3A_128, %dma_wait3A_129] : memref<800x1x128xi32, #tpu.memory_space<hbm>> -> memref<5x1x128xi32, #tpu.memory_space<hbm>>
        %dma_wait3A_131 = arith.constant 0 : i32
        %dma_wait3A_132 = arith.constant 0 : i32
        %dma_wait3A_133 = tpu.memref_slice %arg3[%add3A_11, %dma_wait3A_131, %dma_wait3A_132] : memref<800x1x128xi32, #tpu.memory_space<hbm>> -> memref<5x1x128xi32, #tpu.memory_space<hbm>>
        tpu.wait_dma2 semaphore(%run_scoped3A : memref<!tpu.dma_semaphore, #tpu.memory_space<semaphore_mem>>) src(%dma_wait3A_133 : memref<5x1x128xi32, #tpu.memory_space<hbm>>) dst(%arg5 : memref<5x1x128xi32, #tpu.memory_space<vmem>>)
        tpu.yield
      }) : () -> ()
      %dma_start3A = arith.constant 0 : i32
      %dma_start3A_12 = arith.constant 0 : i32
      %dma_start3A_13 = arith.constant 0 : i32
      %dma_start3A_14 = arith.constant 0 : i32
      %dma_start3A_15 = tpu.memref_slice %arg6[%dma_start3A_13, %dma_start3A_14] : memref<640x128xf32, #tpu.memory_space<vmem>> -> memref<128x128xf32, #tpu.memory_space<vmem>>
      %dma_start3A_16 = arith.constant 0 : i32
      %dma_start3A_17 = tpu.memref_slice %arg5[%dma_start3A, %dma_start3A_12, %dma_start3A_16] : memref<5x1x128xi32, #tpu.memory_space<vmem>> -> memref<1x1x128xi32, #tpu.memory_space<vmem>>
      %dma_start3A_18 = tpu.memref_squeeze %dma_start3A_17 : memref<1x1x128xi32, #tpu.memory_space<vmem>> -> memref<128xi32, #tpu.memory_space<vmem>>
      %dma_start3A_19 = arith.constant 0 : i32
      %dma_start3A_20 = arith.constant 0 : i32
      %dma_start3A_21 = tpu.memref_slice %arg2[%dma_start3A_19, %dma_start3A_20] : memref<8200x128xf32, #tpu.memory_space<hbm>> -> memref<8200x128xf32, #tpu.memory_space<hbm>>
      tpu.enqueue_indirect_dma source(%dma_start3A_21 : memref<8200x128xf32, #tpu.memory_space<hbm>>) target(%dma_start3A_15 : memref<128x128xf32, #tpu.memory_space<vmem>>) offsets(%dma_start3A_18 : memref<128xi32, #tpu.memory_space<vmem>>) semaphore(%arg7 : memref<!tpu.dma_semaphore, #tpu.memory_space<semaphore_mem>>)
      %dma_start3A_22 = arith.constant 1 : i32
      %dma_start3A_23 = arith.constant 0 : i32
      %dma_start3A_24 = arith.constant 128 : i32
      %dma_start3A_25 = arith.constant 0 : i32
      %dma_start3A_26 = tpu.memref_slice %arg6[%dma_start3A_24, %dma_start3A_25] : memref<640x128xf32, #tpu.memory_space<vmem>> -> memref<128x128xf32, #tpu.memory_space<vmem>>
      %dma_start3A_27 = arith.constant 0 : i32
      %dma_start3A_28 = tpu.memref_slice %arg5[%dma_start3A_22, %dma_start3A_23, %dma_start3A_27] : memref<5x1x128xi32, #tpu.memory_space<vmem>> -> memref<1x1x128xi32, #tpu.memory_space<vmem>>
      %dma_start3A_29 = tpu.memref_squeeze %dma_start3A_28 : memref<1x1x128xi32, #tpu.memory_space<vmem>> -> memref<128xi32, #tpu.memory_space<vmem>>
      %dma_start3A_30 = arith.constant 0 : i32
      %dma_start3A_31 = arith.constant 0 : i32
      %dma_start3A_32 = tpu.memref_slice %arg2[%dma_start3A_30, %dma_start3A_31] : memref<8200x128xf32, #tpu.memory_space<hbm>> -> memref<8200x128xf32, #tpu.memory_space<hbm>>
      tpu.enqueue_indirect_dma source(%dma_start3A_32 : memref<8200x128xf32, #tpu.memory_space<hbm>>) target(%dma_start3A_26 : memref<128x128xf32, #tpu.memory_space<vmem>>) offsets(%dma_start3A_29 : memref<128xi32, #tpu.memory_space<vmem>>) semaphore(%arg7 : memref<!tpu.dma_semaphore, #tpu.memory_space<semaphore_mem>>)
      %dma_start3A_33 = arith.constant 2 : i32
      %dma_start3A_34 = arith.constant 0 : i32
      %dma_start3A_35 = arith.constant 256 : i32
      %dma_start3A_36 = arith.constant 0 : i32
      %dma_start3A_37 = tpu.memref_slice %arg6[%dma_start3A_35, %dma_start3A_36] : memref<640x128xf32, #tpu.memory_space<vmem>> -> memref<128x128xf32, #tpu.memory_space<vmem>>
      %dma_start3A_38 = arith.constant 0 : i32
      %dma_start3A_39 = tpu.memref_slice %arg5[%dma_start3A_33, %dma_start3A_34, %dma_start3A_38] : memref<5x1x128xi32, #tpu.memory_space<vmem>> -> memref<1x1x128xi32, #tpu.memory_space<vmem>>
      %dma_start3A_40 = tpu.memref_squeeze %dma_start3A_39 : memref<1x1x128xi32, #tpu.memory_space<vmem>> -> memref<128xi32, #tpu.memory_space<vmem>>
      %dma_start3A_41 = arith.constant 0 : i32
      %dma_start3A_42 = arith.constant 0 : i32
      %dma_start3A_43 = tpu.memref_slice %arg2[%dma_start3A_41, %dma_start3A_42] : memref<8200x128xf32, #tpu.memory_space<hbm>> -> memref<8200x128xf32, #tpu.memory_space<hbm>>
      tpu.enqueue_indirect_dma source(%dma_start3A_43 : memref<8200x128xf32, #tpu.memory_space<hbm>>) target(%dma_start3A_37 : memref<128x128xf32, #tpu.memory_space<vmem>>) offsets(%dma_start3A_40 : memref<128xi32, #tpu.memory_space<vmem>>) semaphore(%arg7 : memref<!tpu.dma_semaphore, #tpu.memory_space<semaphore_mem>>)
      %dma_start3A_44 = arith.constant 3 : i32
      %dma_start3A_45 = arith.constant 0 : i32
      %dma_start3A_46 = arith.constant 384 : i32
      %dma_start3A_47 = arith.constant 0 : i32
      %dma_start3A_48 = tpu.memref_slice %arg6[%dma_start3A_46, %dma_start3A_47] : memref<640x128xf32, #tpu.memory_space<vmem>> -> memref<128x128xf32, #tpu.memory_space<vmem>>
      %dma_start3A_49 = arith.constant 0 : i32
      %dma_start3A_50 = tpu.memref_slice %arg5[%dma_start3A_44, %dma_start3A_45, %dma_start3A_49] : memref<5x1x128xi32, #tpu.memory_space<vmem>> -> memref<1x1x128xi32, #tpu.memory_space<vmem>>
      %dma_start3A_51 = tpu.memref_squeeze %dma_start3A_50 : memref<1x1x128xi32, #tpu.memory_space<vmem>> -> memref<128xi32, #tpu.memory_space<vmem>>
      %dma_start3A_52 = arith.constant 0 : i32
      %dma_start3A_53 = arith.constant 0 : i32
      %dma_start3A_54 = tpu.memref_slice %arg2[%dma_start3A_52, %dma_start3A_53] : memref<8200x128xf32, #tpu.memory_space<hbm>> -> memref<8200x128xf32, #tpu.memory_space<hbm>>
      tpu.enqueue_indirect_dma source(%dma_start3A_54 : memref<8200x128xf32, #tpu.memory_space<hbm>>) target(%dma_start3A_48 : memref<128x128xf32, #tpu.memory_space<vmem>>) offsets(%dma_start3A_51 : memref<128xi32, #tpu.memory_space<vmem>>) semaphore(%arg7 : memref<!tpu.dma_semaphore, #tpu.memory_space<semaphore_mem>>)
      %dma_start3A_55 = arith.constant 4 : i32
      %dma_start3A_56 = arith.constant 0 : i32
      %dma_start3A_57 = arith.constant 512 : i32
      %dma_start3A_58 = arith.constant 0 : i32
      %dma_start3A_59 = tpu.memref_slice %arg6[%dma_start3A_57, %dma_start3A_58] : memref<640x128xf32, #tpu.memory_space<vmem>> -> memref<128x128xf32, #tpu.memory_space<vmem>>
      %dma_start3A_60 = arith.constant 0 : i32
      %dma_start3A_61 = tpu.memref_slice %arg5[%dma_start3A_55, %dma_start3A_56, %dma_start3A_60] : memref<5x1x128xi32, #tpu.memory_space<vmem>> -> memref<1x1x128xi32, #tpu.memory_space<vmem>>
      %dma_start3A_62 = tpu.memref_squeeze %dma_start3A_61 : memref<1x1x128xi32, #tpu.memory_space<vmem>> -> memref<128xi32, #tpu.memory_space<vmem>>
      %dma_start3A_63 = arith.constant 0 : i32
      %dma_start3A_64 = arith.constant 0 : i32
      %dma_start3A_65 = tpu.memref_slice %arg2[%dma_start3A_63, %dma_start3A_64] : memref<8200x128xf32, #tpu.memory_space<hbm>> -> memref<8200x128xf32, #tpu.memory_space<hbm>>
      tpu.enqueue_indirect_dma source(%dma_start3A_65 : memref<8200x128xf32, #tpu.memory_space<hbm>>) target(%dma_start3A_59 : memref<128x128xf32, #tpu.memory_space<vmem>>) offsets(%dma_start3A_62 : memref<128xi32, #tpu.memory_space<vmem>>) semaphore(%arg7 : memref<!tpu.dma_semaphore, #tpu.memory_space<semaphore_mem>>)
      %dma_wait3A = arith.constant 0 : i32
      %dma_wait3A_66 = arith.constant 0 : i32
      %dma_wait3A_67 = arith.constant 0 : i32
      %dma_wait3A_68 = arith.constant 0 : i32
      %dma_wait3A_69 = tpu.memref_slice %arg6[%dma_wait3A_67, %dma_wait3A_68] : memref<640x128xf32, #tpu.memory_space<vmem>> -> memref<128x128xf32, #tpu.memory_space<vmem>>
      %dma_wait3A_70 = arith.constant 0 : i32
      %dma_wait3A_71 = tpu.memref_slice %arg5[%dma_wait3A, %dma_wait3A_66, %dma_wait3A_70] : memref<5x1x128xi32, #tpu.memory_space<vmem>> -> memref<1x1x128xi32, #tpu.memory_space<vmem>>
      %dma_wait3A_72 = tpu.memref_squeeze %dma_wait3A_71 : memref<1x1x128xi32, #tpu.memory_space<vmem>> -> memref<128xi32, #tpu.memory_space<vmem>>
      %dma_wait3A_73 = arith.constant 0 : i32
      %dma_wait3A_74 = arith.constant 0 : i32
      %dma_wait3A_75 = tpu.memref_slice %arg2[%dma_wait3A_73, %dma_wait3A_74] : memref<8200x128xf32, #tpu.memory_space<hbm>> -> memref<8200x128xf32, #tpu.memory_space<hbm>>
      tpu.wait_indirect_dma semaphore(%arg7 : memref<!tpu.dma_semaphore, #tpu.memory_space<semaphore_mem>>) src(%dma_wait3A_75 : memref<8200x128xf32, #tpu.memory_space<hbm>>) dst(%dma_wait3A_69 : memref<128x128xf32, #tpu.memory_space<vmem>>)
      %dma_wait3A_76 = arith.constant 1 : i32
      %dma_wait3A_77 = arith.constant 0 : i32
      %dma_wait3A_78 = arith.constant 128 : i32
      %dma_wait3A_79 = arith.constant 0 : i32
      %dma_wait3A_80 = tpu.memref_slice %arg6[%dma_wait3A_78, %dma_wait3A_79] : memref<640x128xf32, #tpu.memory_space<vmem>> -> memref<128x128xf32, #tpu.memory_space<vmem>>
      %dma_wait3A_81 = arith.constant 0 : i32
      %dma_wait3A_82 = tpu.memref_slice %arg5[%dma_wait3A_76, %dma_wait3A_77, %dma_wait3A_81] : memref<5x1x128xi32, #tpu.memory_space<vmem>> -> memref<1x1x128xi32, #tpu.memory_space<vmem>>
      %dma_wait3A_83 = tpu.memref_squeeze %dma_wait3A_82 : memref<1x1x128xi32, #tpu.memory_space<vmem>> -> memref<128xi32, #tpu.memory_space<vmem>>
      %dma_wait3A_84 = arith.constant 0 : i32
      %dma_wait3A_85 = arith.constant 0 : i32
      %dma_wait3A_86 = tpu.memref_slice %arg2[%dma_wait3A_84, %dma_wait3A_85] : memref<8200x128xf32, #tpu.memory_space<hbm>> -> memref<8200x128xf32, #tpu.memory_space<hbm>>
      tpu.wait_indirect_dma semaphore(%arg7 : memref<!tpu.dma_semaphore, #tpu.memory_space<semaphore_mem>>) src(%dma_wait3A_86 : memref<8200x128xf32, #tpu.memory_space<hbm>>) dst(%dma_wait3A_80 : memref<128x128xf32, #tpu.memory_space<vmem>>)
      %dma_wait3A_87 = arith.constant 2 : i32
      %dma_wait3A_88 = arith.constant 0 : i32
      %dma_wait3A_89 = arith.constant 256 : i32
      %dma_wait3A_90 = arith.constant 0 : i32
      %dma_wait3A_91 = tpu.memref_slice %arg6[%dma_wait3A_89, %dma_wait3A_90] : memref<640x128xf32, #tpu.memory_space<vmem>> -> memref<128x128xf32, #tpu.memory_space<vmem>>
      %dma_wait3A_92 = arith.constant 0 : i32
      %dma_wait3A_93 = tpu.memref_slice %arg5[%dma_wait3A_87, %dma_wait3A_88, %dma_wait3A_92] : memref<5x1x128xi32, #tpu.memory_space<vmem>> -> memref<1x1x128xi32, #tpu.memory_space<vmem>>
      %dma_wait3A_94 = tpu.memref_squeeze %dma_wait3A_93 : memref<1x1x128xi32, #tpu.memory_space<vmem>> -> memref<128xi32, #tpu.memory_space<vmem>>
      %dma_wait3A_95 = arith.constant 0 : i32
      %dma_wait3A_96 = arith.constant 0 : i32
      %dma_wait3A_97 = tpu.memref_slice %arg2[%dma_wait3A_95, %dma_wait3A_96] : memref<8200x128xf32, #tpu.memory_space<hbm>> -> memref<8200x128xf32, #tpu.memory_space<hbm>>
      tpu.wait_indirect_dma semaphore(%arg7 : memref<!tpu.dma_semaphore, #tpu.memory_space<semaphore_mem>>) src(%dma_wait3A_97 : memref<8200x128xf32, #tpu.memory_space<hbm>>) dst(%dma_wait3A_91 : memref<128x128xf32, #tpu.memory_space<vmem>>)
      %dma_wait3A_98 = arith.constant 3 : i32
      %dma_wait3A_99 = arith.constant 0 : i32
      %dma_wait3A_100 = arith.constant 384 : i32
      %dma_wait3A_101 = arith.constant 0 : i32
      %dma_wait3A_102 = tpu.memref_slice %arg6[%dma_wait3A_100, %dma_wait3A_101] : memref<640x128xf32, #tpu.memory_space<vmem>> -> memref<128x128xf32, #tpu.memory_space<vmem>>
      %dma_wait3A_103 = arith.constant 0 : i32
      %dma_wait3A_104 = tpu.memref_slice %arg5[%dma_wait3A_98, %dma_wait3A_99, %dma_wait3A_103] : memref<5x1x128xi32, #tpu.memory_space<vmem>> -> memref<1x1x128xi32, #tpu.memory_space<vmem>>
      %dma_wait3A_105 = tpu.memref_squeeze %dma_wait3A_104 : memref<1x1x128xi32, #tpu.memory_space<vmem>> -> memref<128xi32, #tpu.memory_space<vmem>>
      %dma_wait3A_106 = arith.constant 0 : i32
      %dma_wait3A_107 = arith.constant 0 : i32
      %dma_wait3A_108 = tpu.memref_slice %arg2[%dma_wait3A_106, %dma_wait3A_107] : memref<8200x128xf32, #tpu.memory_space<hbm>> -> memref<8200x128xf32, #tpu.memory_space<hbm>>
      tpu.wait_indirect_dma semaphore(%arg7 : memref<!tpu.dma_semaphore, #tpu.memory_space<semaphore_mem>>) src(%dma_wait3A_108 : memref<8200x128xf32, #tpu.memory_space<hbm>>) dst(%dma_wait3A_102 : memref<128x128xf32, #tpu.memory_space<vmem>>)
      %dma_wait3A_109 = arith.constant 4 : i32
      %dma_wait3A_110 = arith.constant 0 : i32
      %dma_wait3A_111 = arith.constant 512 : i32
      %dma_wait3A_112 = arith.constant 0 : i32
      %dma_wait3A_113 = tpu.memref_slice %arg6[%dma_wait3A_111, %dma_wait3A_112] : memref<640x128xf32, #tpu.memory_space<vmem>> -> memref<128x128xf32, #tpu.memory_space<vmem>>
      %dma_wait3A_114 = arith.constant 0 : i32
      %dma_wait3A_115 = tpu.memref_slice %arg5[%dma_wait3A_109, %dma_wait3A_110, %dma_wait3A_114] : memref<5x1x128xi32, #tpu.memory_space<vmem>> -> memref<1x1x128xi32, #tpu.memory_space<vmem>>
      %dma_wait3A_116 = tpu.memref_squeeze %dma_wait3A_115 : memref<1x1x128xi32, #tpu.memory_space<vmem>> -> memref<128xi32, #tpu.memory_space<vmem>>
      %dma_wait3A_117 = arith.constant 0 : i32
      %dma_wait3A_118 = arith.constant 0 : i32
      %dma_wait3A_119 = tpu.memref_slice %arg2[%dma_wait3A_117, %dma_wait3A_118] : memref<8200x128xf32, #tpu.memory_space<hbm>> -> memref<8200x128xf32, #tpu.memory_space<hbm>>
      tpu.wait_indirect_dma semaphore(%arg7 : memref<!tpu.dma_semaphore, #tpu.memory_space<semaphore_mem>>) src(%dma_wait3A_119 : memref<8200x128xf32, #tpu.memory_space<hbm>>) dst(%dma_wait3A_113 : memref<128x128xf32, #tpu.memory_space<vmem>>)
      %mul3A_120 = arith.constant 128 : i32
      %mul3A_121 = arith.muli %add3A_11, %mul3A_120 : i32
      "tpu.region"() ({
        %run_scoped3A = tpu.sem_alloc : memref<!tpu.dma_semaphore, #tpu.memory_space<semaphore_mem>>
        %dma_start3A_122 = arith.constant 0 : i32
        %dma_start3A_123 = tpu.memref_slice %arg4[%mul3A_121, %dma_start3A_122] : memref<102400x128xf32, #tpu.memory_space<hbm>> -> memref<640x128xf32, #tpu.memory_space<hbm>>
        %dma_start3A_124 = arith.constant 0 : i32
        %dma_start3A_125 = tpu.memref_slice %arg4[%mul3A_121, %dma_start3A_124] : memref<102400x128xf32, #tpu.memory_space<hbm>> -> memref<640x128xf32, #tpu.memory_space<hbm>>
        tpu.enqueue_dma source(%arg6 : memref<640x128xf32, #tpu.memory_space<vmem>>) target(%dma_start3A_125 : memref<640x128xf32, #tpu.memory_space<hbm>>) target_semaphore(%run_scoped3A : memref<!tpu.dma_semaphore, #tpu.memory_space<semaphore_mem>>)
        %dma_wait3A_126 = arith.constant 0 : i32
        %dma_wait3A_127 = tpu.memref_slice %arg4[%mul3A_121, %dma_wait3A_126] : memref<102400x128xf32, #tpu.memory_space<hbm>> -> memref<640x128xf32, #tpu.memory_space<hbm>>
        %dma_wait3A_128 = arith.constant 0 : i32
        %dma_wait3A_129 = tpu.memref_slice %arg4[%mul3A_121, %dma_wait3A_128] : memref<102400x128xf32, #tpu.memory_space<hbm>> -> memref<640x128xf32, #tpu.memory_space<hbm>>
        tpu.wait_dma2 semaphore(%run_scoped3A : memref<!tpu.dma_semaphore, #tpu.memory_space<semaphore_mem>>) src(%arg6 : memref<640x128xf32, #tpu.memory_space<vmem>>) dst(%dma_wait3A_129 : memref<640x128xf32, #tpu.memory_space<hbm>>)
        tpu.yield
      }) : () -> ()
    }
    %scan3A_5 = arith.constant 5 : i32
    return
  }
}

module attributes {stable_mosaic.version = 14 : i64} {
  func.func @_enc_body(%arg0: i32, %arg1: memref<2048x8xf32, #tpu.memory_space<vmem>>, %arg2: memref<8x512xf32, #tpu.memory_space<vmem>>, %arg3: memref<512x24xf32, #tpu.memory_space<vmem>>, %arg4: memref<8x24xf32, #tpu.memory_space<vmem>>, %arg5: memref<2048x1xi32, #tpu.memory_space<vmem>>, %arg6: memref<2048x20xf32, #tpu.memory_space<vmem>>, %arg7: memref<2048x3xf32, #tpu.memory_space<vmem>>, %arg8: memref<2048x1xf32, #tpu.memory_space<vmem>>, %arg9: memref<4x2048x128xf32, #tpu.memory_space<vmem>>, %arg10: memref<2048x1xi32, #tpu.memory_space<vmem>>) attributes {dimension_semantics = [#tpu.dimension_semantics<arbitrary>], iteration_bounds = array<i64: 50>, scalar_prefetch = 0 : i64, scratch_operands = 0 : i64, tpu.core_type = #tpu.core_type<tc>, window_params = [{transform_indices = @transform_0, window_bounds = array<i64: 2048, 8>}, {pipeline_mode = #tpu.pipeline_mode<synchronous>, transform_indices = @transform_1, window_bounds = array<i64: 8, 512>}, {pipeline_mode = #tpu.pipeline_mode<synchronous>, transform_indices = @transform_2, window_bounds = array<i64: 512, 24>}, {pipeline_mode = #tpu.pipeline_mode<synchronous>, transform_indices = @transform_3, window_bounds = array<i64: 8, 24>}, {transform_indices = @transform_4, window_bounds = array<i64: 2048, 1>}, {transform_indices = @transform_5, window_bounds = array<i64: 2048, 20>}, {transform_indices = @transform_6, window_bounds = array<i64: 2048, 3>}, {transform_indices = @transform_7, window_bounds = array<i64: 2048, 1>}, {transform_indices = @transform_8, window_bounds = array<i64: 4, 2048, 128>}, {transform_indices = @transform_9, window_bounds = array<i64: 2048, 1>}]} {
    %get3A = arith.constant 0 : index
    %get3A_0 = arith.constant 0 : index
    %get3A_1 = vector.load %arg1[%get3A, %get3A_0] : memref<2048x8xf32, #tpu.memory_space<vmem>>, vector<2048x8xf32>
    %get3A_2 = arith.constant 0 : index
    %get3A_3 = arith.constant 0 : index
    %get3A_4 = vector.load %arg2[%get3A_2, %get3A_3] : memref<8x512xf32, #tpu.memory_space<vmem>>, vector<8x512xf32>
    %dot_general3A = arith.constant dense<0.000000e+00> : vector<2048x512xf32>
    %dot_general3A_5 = tpu.matmul %get3A_1, %get3A_4, %dot_general3A {dimension_numbers = #tpu.dot_dimension_numbers<[1], [0], [0], [1], [0, 0, 1, 1], [], []>, transpose_lhs_hint = false} : vector<2048x8xf32>, vector<8x512xf32>, vector<2048x512xf32> -> vector<2048x512xf32>
    %max3A = arith.constant 0.000000e+00 : f32
    %max3A_6 = vector.broadcast %max3A : f32 to vector<2048x512xf32>
    %max3A_7 = arith.maximumf %dot_general3A_5, %max3A_6 : vector<2048x512xf32>
    %get3A_8 = arith.constant 0 : index
    %get3A_9 = arith.constant 0 : index
    %get3A_10 = vector.load %arg3[%get3A_8, %get3A_9] : memref<512x24xf32, #tpu.memory_space<vmem>>, vector<512x24xf32>
    %dot_general3A_11 = arith.constant dense<0.000000e+00> : vector<2048x24xf32>
    %dot_general3A_12 = tpu.matmul %max3A_7, %get3A_10, %dot_general3A_11 {dimension_numbers = #tpu.dot_dimension_numbers<[1], [0], [0], [1], [0, 0, 1, 1], [], []>, transpose_lhs_hint = false} : vector<2048x512xf32>, vector<512x24xf32>, vector<2048x24xf32> -> vector<2048x24xf32>
    %get3A_13 = arith.constant 0 : index
    %get3A_14 = arith.constant 0 : index
    %get3A_15 = vector.load %arg4[%get3A_13, %get3A_14] : memref<8x24xf32, #tpu.memory_space<vmem>>, vector<1x24xf32>
    %add3A = vector.broadcast %get3A_15 : vector<1x24xf32> to vector<2048x24xf32>
    %add3A_16 = arith.addf %dot_general3A_12, %add3A : vector<2048x24xf32>
    %slice3A = vector.extract_strided_slice %add3A_16 {offsets = [0, 0], sizes = [2048, 20], strides = [1, 1]} : vector<2048x24xf32> to vector<2048x20xf32>
    %reduce_max3A = arith.constant dense<0xFF800000> : vector<2048xf32>
    %reduce_max3A_17 = vector.multi_reduction <maximumf>, %slice3A, %reduce_max3A [1] : vector<2048x20xf32> to vector<2048xf32>
    %broadcast_in_dim3A = vector.shape_cast %reduce_max3A_17 : vector<2048xf32> to vector<2048x1xf32>
    %slice3A_18 = vector.extract_strided_slice %slice3A {offsets = [0, 0], sizes = [2048, 1], strides = [1, 1]} : vector<2048x20xf32> to vector<2048x1xf32>
    %ge3A = arith.cmpf oge, %slice3A_18, %broadcast_in_dim3A : vector<2048x1xf32>
    %mul3A = arith.constant 2048 : i32
    %mul3A_19 = arith.muli %arg0, %mul3A : i32
    %iota3A = tpu.iota {dimensions = array<i32: 0>} : vector<2048x1xi32>
    %add3A_20 = vector.broadcast %mul3A_19 : i32 to vector<2048x1xi32>
    %add3A_21 = arith.addi %add3A_20, %iota3A : vector<2048x1xi32>
    %not3A = arith.constant dense<true> : vector<2048x1xi1>
    %not3A_22 = arith.xori %ge3A, %not3A : vector<2048x1xi1>
    %lt3A = arith.constant 100000 : i32
    %lt3A_23 = vector.broadcast %lt3A : i32 to vector<2048x1xi32>
    %lt3A_24 = arith.cmpi slt, %add3A_21, %lt3A_23 : vector<2048x1xi32>
    %and3A = arith.andi %not3A_22, %lt3A_24 : vector<2048x1xi1>
    %convert_element_type3A = arith.extui %and3A : vector<2048x1xi1> to vector<2048x1xi32>
    %convert_element_type3A_25 = arith.sitofp %convert_element_type3A : vector<2048x1xi32> to vector<2048x1xf32>
    %swap3A = arith.constant 0 : index
    %swap3A_26 = arith.constant 0 : index
    %swap3A_27 = vector.load %arg6[%swap3A, %swap3A_26] : memref<2048x20xf32, #tpu.memory_space<vmem>>, vector<2048x20xf32>
    tpu.vector_store %arg6[%swap3A, %swap3A_26], %slice3A {strides = array<i32>} : memref<2048x20xf32, #tpu.memory_space<vmem>>, vector<2048x20xf32>,
    %slice3A_28 = vector.extract_strided_slice %add3A_16 {offsets = [0, 20], sizes = [2048, 3], strides = [1, 1]} : vector<2048x24xf32> to vector<2048x3xf32>
    %mul3A_29 = vector.broadcast %convert_element_type3A_25 : vector<2048x1xf32> to vector<2048x3xf32>
    %mul3A_30 = arith.mulf %slice3A_28, %mul3A_29 : vector<2048x3xf32>
    %swap3A_31 = arith.constant 0 : index
    %swap3A_32 = arith.constant 0 : index
    %swap3A_33 = vector.load %arg7[%swap3A_31, %swap3A_32] : memref<2048x3xf32, #tpu.memory_space<vmem>>, vector<2048x3xf32>
    tpu.vector_store %arg7[%swap3A_31, %swap3A_32], %mul3A_30 {strides = array<i32>} : memref<2048x3xf32, #tpu.memory_space<vmem>>, vector<2048x3xf32>,
    %slice3A_34 = vector.extract_strided_slice %add3A_16 {offsets = [0, 23], sizes = [2048, 1], strides = [1, 1]} : vector<2048x24xf32> to vector<2048x1xf32>
    %logistic3A = arith.negf %slice3A_34 : vector<2048x1xf32>
    %logistic3A_35 = math.exp %logistic3A : vector<2048x1xf32>
    %logistic3A_36 = arith.constant 1.000000e+00 : f32
    %logistic3A_37 = vector.broadcast %logistic3A_36 : f32 to vector<2048x1xf32>
    %logistic3A_38 = arith.addf %logistic3A_37, %logistic3A_35 : vector<2048x1xf32>
    %logistic3A_39 = arith.divf %logistic3A_37, %logistic3A_38 : vector<2048x1xf32>
    %mul3A_40 = arith.mulf %logistic3A_39, %convert_element_type3A_25 : vector<2048x1xf32>
    %swap3A_41 = arith.constant 0 : index
    %swap3A_42 = arith.constant 0 : index
    %swap3A_43 = vector.load %arg8[%swap3A_41, %swap3A_42] : memref<2048x1xf32, #tpu.memory_space<vmem>>, vector<2048x1xf32>
    tpu.vector_store %arg8[%swap3A_41, %swap3A_42], %mul3A_40 {strides = array<i32>} : memref<2048x1xf32, #tpu.memory_space<vmem>>, vector<2048x1xf32>,
    %mul3A_44 = vector.broadcast %convert_element_type3A_25 : vector<2048x1xf32> to vector<2048x512xf32>
    %mul3A_45 = arith.mulf %max3A_7, %mul3A_44 : vector<2048x512xf32>
    %slice3A_46 = vector.extract_strided_slice %mul3A_45 {offsets = [0, 0], sizes = [2048, 128], strides = [1, 1]} : vector<2048x512xf32> to vector<2048x128xf32>
    %swap3A_47 = arith.constant 0 : index
    %swap3A_48 = arith.constant 0 : index
    %swap3A_49 = arith.constant 0 : index
    %swap3A_50 = vector.load %arg9[%swap3A_47, %swap3A_48, %swap3A_49] : memref<4x2048x128xf32, #tpu.memory_space<vmem>>, vector<1x2048x128xf32>
    %swap3A_51 = vector.shape_cast %swap3A_50 : vector<1x2048x128xf32> to vector<2048x128xf32>
    %swap3A_52 = vector.shape_cast %slice3A_46 : vector<2048x128xf32> to vector<1x2048x128xf32>
    tpu.vector_store %arg9[%swap3A_47, %swap3A_48, %swap3A_49], %swap3A_52 {strides = array<i32>} : memref<4x2048x128xf32, #tpu.memory_space<vmem>>, vector<1x2048x128xf32>,
    %slice3A_53 = vector.extract_strided_slice %mul3A_45 {offsets = [0, 128], sizes = [2048, 128], strides = [1, 1]} : vector<2048x512xf32> to vector<2048x128xf32>
    %swap3A_54 = arith.constant 1 : index
    %swap3A_55 = arith.constant 0 : index
    %swap3A_56 = arith.constant 0 : index
    %swap3A_57 = vector.load %arg9[%swap3A_54, %swap3A_55, %swap3A_56] : memref<4x2048x128xf32, #tpu.memory_space<vmem>>, vector<1x2048x128xf32>
    %swap3A_58 = vector.shape_cast %swap3A_57 : vector<1x2048x128xf32> to vector<2048x128xf32>
    %swap3A_59 = vector.shape_cast %slice3A_53 : vector<2048x128xf32> to vector<1x2048x128xf32>
    tpu.vector_store %arg9[%swap3A_54, %swap3A_55, %swap3A_56], %swap3A_59 {strides = array<i32>} : memref<4x2048x128xf32, #tpu.memory_space<vmem>>, vector<1x2048x128xf32>,
    %slice3A_60 = vector.extract_strided_slice %mul3A_45 {offsets = [0, 256], sizes = [2048, 128], strides = [1, 1]} : vector<2048x512xf32> to vector<2048x128xf32>
    %swap3A_61 = arith.constant 2 : index
    %swap3A_62 = arith.constant 0 : index
    %swap3A_63 = arith.constant 0 : index
    %swap3A_64 = vector.load %arg9[%swap3A_61, %swap3A_62, %swap3A_63] : memref<4x2048x128xf32, #tpu.memory_space<vmem>>, vector<1x2048x128xf32>
    %swap3A_65 = vector.shape_cast %swap3A_64 : vector<1x2048x128xf32> to vector<2048x128xf32>
    %swap3A_66 = vector.shape_cast %slice3A_60 : vector<2048x128xf32> to vector<1x2048x128xf32>
    tpu.vector_store %arg9[%swap3A_61, %swap3A_62, %swap3A_63], %swap3A_66 {strides = array<i32>} : memref<4x2048x128xf32, #tpu.memory_space<vmem>>, vector<1x2048x128xf32>,
    %slice3A_67 = vector.extract_strided_slice %mul3A_45 {offsets = [0, 384], sizes = [2048, 128], strides = [1, 1]} : vector<2048x512xf32> to vector<2048x128xf32>
    %swap3A_68 = arith.constant 3 : index
    %swap3A_69 = arith.constant 0 : index
    %swap3A_70 = arith.constant 0 : index
    %swap3A_71 = vector.load %arg9[%swap3A_68, %swap3A_69, %swap3A_70] : memref<4x2048x128xf32, #tpu.memory_space<vmem>>, vector<1x2048x128xf32>
    %swap3A_72 = vector.shape_cast %swap3A_71 : vector<1x2048x128xf32> to vector<2048x128xf32>
    %swap3A_73 = vector.shape_cast %slice3A_67 : vector<2048x128xf32> to vector<1x2048x128xf32>
    tpu.vector_store %arg9[%swap3A_68, %swap3A_69, %swap3A_70], %swap3A_73 {strides = array<i32>} : memref<4x2048x128xf32, #tpu.memory_space<vmem>>, vector<1x2048x128xf32>,
    %get3A_74 = arith.constant 0 : index
    %get3A_75 = arith.constant 0 : index
    %get3A_76 = vector.load %arg5[%get3A_74, %get3A_75] : memref<2048x1xi32, #tpu.memory_space<vmem>>, vector<2048x1xi32>
    %jit3A = arith.constant 8192 : i32
    %broadcast_in_dim3A_77 = vector.broadcast %jit3A : i32 to vector<2048x1xi32>
    %select_n3A = arith.select %and3A, %get3A_76, %broadcast_in_dim3A_77 : vector<2048x1xi1>, vector<2048x1xi32>
    %swap3A_78 = arith.constant 0 : index
    %swap3A_79 = arith.constant 0 : index
    %swap3A_80 = vector.load %arg10[%swap3A_78, %swap3A_79] : memref<2048x1xi32, #tpu.memory_space<vmem>>, vector<2048x1xi32>
    tpu.vector_store %arg10[%swap3A_78, %swap3A_79], %select_n3A {strides = array<i32>} : memref<2048x1xi32, #tpu.memory_space<vmem>>, vector<2048x1xi32>,
    return
  }
  func.func @transform_0(%arg0: i32) -> (i32, i32) {
    %c0_i32 = arith.constant 0 : i32
    %c0_i32_0 = arith.constant 0 : i32
    return %arg0, %c0_i32 : i32, i32
  }
  func.func @transform_1(%arg0: i32) -> (i32, i32) {
    %c0_i32 = arith.constant 0 : i32
    %c0_i32_0 = arith.constant 0 : i32
    %c0_i32_1 = arith.constant 0 : i32
    return %c0_i32, %c0_i32_0 : i32, i32
  }
  func.func @transform_2(%arg0: i32) -> (i32, i32) {
    %c0_i32 = arith.constant 0 : i32
    %c0_i32_0 = arith.constant 0 : i32
    %c0_i32_1 = arith.constant 0 : i32
    return %c0_i32, %c0_i32_0 : i32, i32
  }
  func.func @transform_3(%arg0: i32) -> (i32, i32) {
    %c0_i32 = arith.constant 0 : i32
    %c0_i32_0 = arith.constant 0 : i32
    %c0_i32_1 = arith.constant 0 : i32
    return %c0_i32, %c0_i32_0 : i32, i32
  }
  func.func @transform_4(%arg0: i32) -> (i32, i32) {
    %c0_i32 = arith.constant 0 : i32
    %c0_i32_0 = arith.constant 0 : i32
    return %arg0, %c0_i32 : i32, i32
  }
  func.func @transform_5(%arg0: i32) -> (i32, i32) {
    %c0_i32 = arith.constant 0 : i32
    %c0_i32_0 = arith.constant 0 : i32
    return %arg0, %c0_i32 : i32, i32
  }
  func.func @transform_6(%arg0: i32) -> (i32, i32) {
    %c0_i32 = arith.constant 0 : i32
    %c0_i32_0 = arith.constant 0 : i32
    return %arg0, %c0_i32 : i32, i32
  }
  func.func @transform_7(%arg0: i32) -> (i32, i32) {
    %c0_i32 = arith.constant 0 : i32
    %c0_i32_0 = arith.constant 0 : i32
    return %arg0, %c0_i32 : i32, i32
  }
  func.func @transform_8(%arg0: i32) -> (i32, i32, i32) {
    %c0_i32 = arith.constant 0 : i32
    %c0_i32_0 = arith.constant 0 : i32
    %c0_i32_1 = arith.constant 0 : i32
    return %c0_i32, %arg0, %c0_i32_0 : i32, i32, i32
  }
  func.func @transform_9(%arg0: i32) -> (i32, i32) {
    %c0_i32 = arith.constant 0 : i32
    %c0_i32_0 = arith.constant 0 : i32
    return %arg0, %c0_i32 : i32, i32
  }
}

module attributes {stable_mosaic.version = 14 : i64} {
  func.func @_cluster_body(%arg0: i32, %arg1: memref<4x1024x128xf32, #tpu.memory_space<vmem>>, %arg2: memref<2x1024x128xf32, #tpu.memory_space<vmem>>, %arg3: memref<512x512xf32, #tpu.memory_space<vmem>>, %arg4: memref<512x129xf32, #tpu.memory_space<vmem>>, %arg5: memref<1024x1xf32, #tpu.memory_space<vmem>>, %arg6: memref<1024x128xf32, #tpu.memory_space<vmem>>) attributes {dimension_semantics = [#tpu.dimension_semantics<arbitrary>], iteration_bounds = array<i64: 8>, scalar_prefetch = 0 : i64, scratch_operands = 0 : i64, tpu.core_type = #tpu.core_type<tc>, window_params = [{transform_indices = @transform_0, window_bounds = array<i64: 4, 1024, 128>}, {transform_indices = @transform_1, window_bounds = array<i64: 2, 1024, 128>}, {pipeline_mode = #tpu.pipeline_mode<synchronous>, transform_indices = @transform_2, window_bounds = array<i64: 512, 512>}, {pipeline_mode = #tpu.pipeline_mode<synchronous>, transform_indices = @transform_3, window_bounds = array<i64: 512, 129>}, {transform_indices = @transform_4, window_bounds = array<i64: 1024, 1>}, {transform_indices = @transform_5, window_bounds = array<i64: 1024, 128>}]} {
    %get3A = arith.constant 0 : index
    %get3A_0 = arith.constant 0 : index
    %get3A_1 = arith.constant 0 : index
    %get3A_2 = vector.load %arg2[%get3A, %get3A_0, %get3A_1] : memref<2x1024x128xf32, #tpu.memory_space<vmem>>, vector<1x1024x1xf32>
    %get3A_3 = vector.shape_cast %get3A_2 : vector<1x1024x1xf32> to vector<1024x1xf32>
    %get3A_4 = arith.constant 1 : index
    %get3A_5 = arith.constant 0 : index
    %get3A_6 = arith.constant 0 : index
    %get3A_7 = vector.load %arg2[%get3A_4, %get3A_5, %get3A_6] : memref<2x1024x128xf32, #tpu.memory_space<vmem>>, vector<1x1024x1xf32>
    %get3A_8 = vector.shape_cast %get3A_7 : vector<1x1024x1xf32> to vector<1024x1xf32>
    %add3A = arith.addf %get3A_3, %get3A_8 : vector<1024x1xf32>
    %get3A_9 = arith.constant 0 : index
    %get3A_10 = arith.constant 0 : index
    %get3A_11 = arith.constant 0 : index
    %get3A_12 = vector.load %arg1[%get3A_9, %get3A_10, %get3A_11] : memref<4x1024x128xf32, #tpu.memory_space<vmem>>, vector<1x1024x128xf32>
    %get3A_13 = vector.shape_cast %get3A_12 : vector<1x1024x128xf32> to vector<1024x128xf32>
    %get3A_14 = arith.constant 1 : index
    %get3A_15 = arith.constant 0 : index
    %get3A_16 = arith.constant 0 : index
    %get3A_17 = vector.load %arg1[%get3A_14, %get3A_15, %get3A_16] : memref<4x1024x128xf32, #tpu.memory_space<vmem>>, vector<1x1024x128xf32>
    %get3A_18 = vector.shape_cast %get3A_17 : vector<1x1024x128xf32> to vector<1024x128xf32>
    %get3A_19 = arith.constant 2 : index
    %get3A_20 = arith.constant 0 : index
    %get3A_21 = arith.constant 0 : index
    %get3A_22 = vector.load %arg1[%get3A_19, %get3A_20, %get3A_21] : memref<4x1024x128xf32, #tpu.memory_space<vmem>>, vector<1x1024x128xf32>
    %get3A_23 = vector.shape_cast %get3A_22 : vector<1x1024x128xf32> to vector<1024x128xf32>
    %get3A_24 = arith.constant 3 : index
    %get3A_25 = arith.constant 0 : index
    %get3A_26 = arith.constant 0 : index
    %get3A_27 = vector.load %arg1[%get3A_24, %get3A_25, %get3A_26] : memref<4x1024x128xf32, #tpu.memory_space<vmem>>, vector<1x1024x128xf32>
    %get3A_28 = vector.shape_cast %get3A_27 : vector<1x1024x128xf32> to vector<1024x128xf32>
    %concatenate3A = tpu.concatenate %get3A_13, %get3A_18, %get3A_23, %get3A_28 in 1 : vector<1024x128xf32>, vector<1024x128xf32>, vector<1024x128xf32>, vector<1024x128xf32> -> vector<1024x512xf32>
    %max3A = arith.constant 1.000000e+00 : f32
    %max3A_29 = vector.broadcast %max3A : f32 to vector<1024x1xf32>
    %max3A_30 = arith.maximumf %add3A, %max3A_29 : vector<1024x1xf32>
    %div3A = vector.broadcast %max3A_30 : vector<1024x1xf32> to vector<1024x512xf32>
    %div3A_31 = arith.divf %concatenate3A, %div3A : vector<1024x512xf32>
    %get3A_32 = arith.constant 0 : index
    %get3A_33 = arith.constant 0 : index
    %get3A_34 = vector.load %arg3[%get3A_32, %get3A_33] : memref<512x512xf32, #tpu.memory_space<vmem>>, vector<512x512xf32>
    %dot_general3A = arith.constant dense<0.000000e+00> : vector<1024x512xf32>
    %dot_general3A_35 = tpu.matmul %div3A_31, %get3A_34, %dot_general3A {dimension_numbers = #tpu.dot_dimension_numbers<[1], [0], [0], [1], [0, 0, 1, 1], [], []>, transpose_lhs_hint = false} : vector<1024x512xf32>, vector<512x512xf32>, vector<1024x512xf32> -> vector<1024x512xf32>
    %max3A_36 = arith.constant 0.000000e+00 : f32
    %max3A_37 = vector.broadcast %max3A_36 : f32 to vector<1024x512xf32>
    %max3A_38 = arith.maximumf %dot_general3A_35, %max3A_37 : vector<1024x512xf32>
    %get3A_39 = arith.constant 0 : index
    %get3A_40 = arith.constant 0 : index
    %get3A_41 = vector.load %arg4[%get3A_39, %get3A_40] : memref<512x129xf32, #tpu.memory_space<vmem>>, vector<512x129xf32>
    %dot_general3A_42 = arith.constant dense<0.000000e+00> : vector<1024x129xf32>
    %dot_general3A_43 = tpu.matmul %max3A_38, %get3A_41, %dot_general3A_42 {dimension_numbers = #tpu.dot_dimension_numbers<[1], [0], [0], [1], [0, 0, 1, 1], [], []>, transpose_lhs_hint = false} : vector<1024x512xf32>, vector<512x129xf32>, vector<1024x129xf32> -> vector<1024x129xf32>
    %slice3A = vector.extract_strided_slice %dot_general3A_43 {offsets = [0, 0], sizes = [1024, 1], strides = [1, 1]} : vector<1024x129xf32> to vector<1024x1xf32>
    %logistic3A = arith.negf %slice3A : vector<1024x1xf32>
    %logistic3A_44 = math.exp %logistic3A : vector<1024x1xf32>
    %logistic3A_45 = arith.constant 1.000000e+00 : f32
    %logistic3A_46 = vector.broadcast %logistic3A_45 : f32 to vector<1024x1xf32>
    %logistic3A_47 = arith.addf %logistic3A_46, %logistic3A_44 : vector<1024x1xf32>
    %logistic3A_48 = arith.divf %logistic3A_46, %logistic3A_47 : vector<1024x1xf32>
    %swap3A = arith.constant 0 : index
    %swap3A_49 = arith.constant 0 : index
    %swap3A_50 = vector.load %arg5[%swap3A, %swap3A_49] : memref<1024x1xf32, #tpu.memory_space<vmem>>, vector<1024x1xf32>
    tpu.vector_store %arg5[%swap3A, %swap3A_49], %logistic3A_48 {strides = array<i32>} : memref<1024x1xf32, #tpu.memory_space<vmem>>, vector<1024x1xf32>,
    %slice3A_51 = vector.extract_strided_slice %dot_general3A_43 {offsets = [0, 1], sizes = [1024, 128], strides = [1, 1]} : vector<1024x129xf32> to vector<1024x128xf32>
    %swap3A_52 = arith.constant 0 : index
    %swap3A_53 = arith.constant 0 : index
    %swap3A_54 = vector.load %arg6[%swap3A_52, %swap3A_53] : memref<1024x128xf32, #tpu.memory_space<vmem>>, vector<1024x128xf32>
    tpu.vector_store %arg6[%swap3A_52, %swap3A_53], %slice3A_51 {strides = array<i32>} : memref<1024x128xf32, #tpu.memory_space<vmem>>, vector<1024x128xf32>,
    return
  }
  func.func @transform_0(%arg0: i32) -> (i32, i32, i32) {
    %c0_i32 = arith.constant 0 : i32
    %c0_i32_0 = arith.constant 0 : i32
    %c0_i32_1 = arith.constant 0 : i32
    return %c0_i32, %arg0, %c0_i32_0 : i32, i32, i32
  }
  func.func @transform_1(%arg0: i32) -> (i32, i32, i32) {
    %c0_i32 = arith.constant 0 : i32
    %c0_i32_0 = arith.constant 0 : i32
    %c0_i32_1 = arith.constant 0 : i32
    return %c0_i32, %arg0, %c0_i32_0 : i32, i32, i32
  }
  func.func @transform_2(%arg0: i32) -> (i32, i32) {
    %c0_i32 = arith.constant 0 : i32
    %c0_i32_0 = arith.constant 0 : i32
    %c0_i32_1 = arith.constant 0 : i32
    return %c0_i32, %c0_i32_0 : i32, i32
  }
  func.func @transform_3(%arg0: i32) -> (i32, i32) {
    %c0_i32 = arith.constant 0 : i32
    %c0_i32_0 = arith.constant 0 : i32
    %c0_i32_1 = arith.constant 0 : i32
    return %c0_i32, %c0_i32_0 : i32, i32
  }
  func.func @transform_4(%arg0: i32) -> (i32, i32) {
    %c0_i32 = arith.constant 0 : i32
    %c0_i32_0 = arith.constant 0 : i32
    return %arg0, %c0_i32 : i32, i32
  }
  func.func @transform_5(%arg0: i32) -> (i32, i32) {
    %c0_i32 = arith.constant 0 : i32
    %c0_i32_0 = arith.constant 0 : i32
    return %arg0, %c0_i32 : i32, i32
  }
}

</mosaic_0001>

<sc_bundles>
// kernel: kernel.6.cloned.1.call-start
scs
__scs_entry_jumppad:
0x0: {  	(pc) =	sbr.rel $0x88, $3  }
0x1: {  	(tag) =	ssettag $0x0;
	lr =	simm.s32 $0x1  }
0x2: {  	[smem:$0x3F96] =	sst lr;
	_ =	strace $0xD0000000  }
0x3: {  	_ = 	snop  }
0x4: {  	_ = 	snop  }
0x5: {  	_ = 	snop  }
0x6: {  	_ = 	snop  }
0x7: {  	_ = 	snop  }
__scs_overlays_trampoline_lowered:
0x8: {  	[smem:$0x3FA5] =	sst s0  }
0x9: {  	[smem:$0x3FA6] =	sst s1  }
0xa: {  	[smem:$0x3FA7] =	sst s2  }
0xb: {  	[smem:$0x3FA8] =	sst s3  }
0xc: {  	[smem:$0x3FA9] =	sst s4  }
0xd: {  	[smem:$0x3FAA] =	sst s5  }
0xe: {  	[smem:$0x3FAB] =	sst s6  }
0xf: {  	[smem:$0x3FAC] =	sst s7  }
0x10: {  	[smem:$0x3FAD] =	sst s8  }
0x11: {  	[smem:$0x3FAE] =	sst s9;
	s0 =	simm.s32 @!p0 $0x0  }
0x12: {  	s1 =	sld [smem:$0x3F94];
	s0 =	simm.s32 @p0 $0x1  }
0x13: {  	[smem:$0x3FAF] =	sst s0;
	s0 =	simm.s32 @!p1 $0x0  }
0x14: {  	s2 =	sld [smem:$0x3F93];
	s0 =	simm.s32 @p1 $0x1  }
0x15: {  	[smem:$0x3FB0] =	sst s0;
	s0 =	simm.s32 @!p2 $0x0  }
0x16: {  	s3 =	sld [smem:$0x3FDB];
	s0 =	simm.s32 @p2 $0x1  }
0x17: {  	s4 =	simm.s32 $0x1BF5;
	[smem:$0x3FB2] =	sst s0  }
0x18: {  	s0 =	sld [smem:$0x3F95];
	_ =	swait.ge [sflag:s4], $0x0  }
0x19: {  	s7 =	sld [smem:$0x3F96]  }
0x1a: {  	s8 =	sadd.s32 $0xFFFFE003, lr  }
0x1b: {  	s9 =	sadd.s32 $0xFFFFFEF7, lr;
	s5 =	simm.s32 $0xFFFFFFFF;
	p2 =	slt.u32 s8, $0xFFFFF086  }
0x1c: {  	p1 =	slt.u32 s9, $0xF7A;
	s5 =	simm.s32 @!p2 $0x0  }
0x1d: {  	s5 =	simm.s32 @p1 $0x1;
	p0 =	seq.s32 s7, s2  }
0x1e: {  	s7 =	smul.u32 @!p0 $0xF7A, s2;
	p2 =	seq.s32 @!p0 s5, $0x0  }
0x1f: {  	s9 =	smul.u32 $0xF7A, s1;
	s8 =	simm.s32 @!p0 $0x1BF5;
	p2 =	por !p2, p0  }
0x20: {  	[sflag:s8] =	ssyncset.s32 @!p0 $0xFFFFF086;
	s6 =	sadd.s32 @!p0 s3, s7;
	s7 =	simm.s32 @!p0 $0x108  }
0x21: {  	s3 =	sadd.s32 s3, s9;
	s6 =	sadd.s32 @!p0 $0x88, s6;
	s7 =	simm.s32 @p2 $0x1082  }
0x22: {  	[simem:s7], [sflag:s8] =	dma.local @!p0 [hbm:s6], $0xF7A  }
0x23: {  	s9 =	sor.u32 $0xD0000000, s2;
	s6 =	simm.s32 $0x108;
	_ =	swait.ge @!p0 [sflag:s8], $0x0  }
0x24: {  	s3 =	sadd.s32 $0x88, s3;
	s6 =	simm.s32 @!p1 $0x1082;
	[sflag:s4] =	ssyncset.s32 $0xFFFFF086  }
0x25: {  	[simem:s6], [sflag:s4] =	dma.local [hbm:s3], $0xF7A  }
0x26: {  	[smem:$0x3F96] =	sst s1;
	(tag) =	ssettag s2;
	_ =	strace s9  }
0x27: {  	s1 =	sld [smem:$0x3FA6]  }
0x28: {  	s2 =	sld [smem:$0x3FA7]  }
0x29: {  	s4 =	sld [smem:$0x3FA9]  }
0x2a: {  	p0 =	seq.s32 s5, $0x0;
	s5 =	sld [smem:$0x3FAA]  }
0x2b: {  	s6 =	sld [smem:$0x3FAB]  }
0x2c: {  	s7 =	sld [smem:$0x3FAC]  }
0x2d: {  	s3 =	simm.s32 $0x108;
	s8 =	sld [smem:$0x3FAD]  }
0x2e: {  	s3 =	simm.s32 @!p0 $0x1082;
	s9 =	sld [smem:$0x3FAE]  }
0x2f: {  	lr =	sadd.s32 s0, s3;
	s0 =	sld [smem:$0x3FA5]  }
0x30: {  	s3 =	sld [smem:$0x3FA8]  }
0x31: {  	[smem:$0x3FB1] =	sst s10  }
0x32: {  	s10 =	sld [smem:$0x3FAF];
	_ =	sdelay $0x3  }
0x33: {  	p0 =	seq.s32 s10, $0x1;
	s10 =	sld [smem:$0x3FB1];
	_ =	sdelay $0x3  }
0x34: {  	[smem:$0x3FB1] =	sst s10  }
0x35: {  	s10 =	sld [smem:$0x3FB0];
	_ =	sdelay $0x3  }
0x36: {  	p1 =	seq.s32 s10, $0x1;
	s10 =	sld [smem:$0x3FB1];
	_ =	sdelay $0x3  }
0x37: {  	[smem:$0x3FB1] =	sst s10  }
0x38: {  	s10 =	sld [smem:$0x3FB2]  }
0x39: {  	_ = 	snop;
	(pc) =	sbr.ind lr, $3  }
0x3a: {  	_ = 	snop  }
0x3b: {  	_ = 	snop  }
0x3c: {  	p2 =	seq.s32 s10, $0x1;
	s10 =	sld [smem:$0x3FB1]  }
0x3d: {  	_ =	shalt  }
0x3e: {  	_ =	shalt  }
0x3f: {  	_ =	shalt  }
0x40: {  	_ =	shalt  }
0x41: {  	_ =	shalt  }
0x42: {  	_ =	shalt  }
0x43: {  	_ =	shalt  }
0x44: {  	_ =	shalt  }
0x45: {  	_ =	shalt  }
0x46: {  	_ =	shalt  }
0x47: {  	_ =	shalt  }
0x48: {  	_ =	shalt  }
0x49: {  	_ =	shalt  }
0x4a: {  	_ =	shalt  }
0x4b: {  	_ =	shalt  }
0x4c: {  	_ =	shalt  }
0x4d: {  	_ =	shalt  }
0x4e: {  	_ =	shalt  }
0x4f: {  	_ =	shalt  }
0x50: {  	_ =	shalt  }
0x51: {  	_ =	shalt  }
0x52: {  	_ =	shalt  }
0x53: {  	_ =	shalt  }
0x54: {  	_ =	shalt  }
0x55: {  	_ =	shalt  }
0x56: {  	_ =	shalt  }
0x57: {  	_ =	shalt  }
0x58: {  	_ =	shalt  }
0x59: {  	_ =	shalt  }
0x5a: {  	_ =	shalt  }
0x5b: {  	_ =	shalt  }
0x5c: {  	_ =	shalt  }
0x5d: {  	_ =	shalt  }
0x5e: {  	_ =	shalt  }
0x5f: {  	_ =	shalt  }
0x60: {  	_ =	shalt  }
0x61: {  	_ =	shalt  }
0x62: {  	_ =	shalt  }
0x63: {  	_ =	shalt  }
0x64: {  	_ =	shalt  }
0x65: {  	_ =	shalt  }
0x66: {  	_ =	shalt  }
0x67: {  	_ =	shalt  }
0x68: {  	_ =	shalt  }
0x69: {  	_ =	shalt  }
0x6a: {  	_ =	shalt  }
0x6b: {  	_ =	shalt  }
0x6c: {  	_ =	shalt  }
0x6d: {  	_ =	shalt  }
0x6e: {  	_ =	shalt  }
0x6f: {  	_ =	shalt  }
0x70: {  	_ =	shalt  }
0x71: {  	_ =	shalt  }
0x72: {  	_ =	shalt  }
0x73: {  	_ =	shalt  }
0x74: {  	_ =	shalt  }
0x75: {  	_ =	shalt  }
0x76: {  	_ =	shalt  }
0x77: {  	_ =	shalt  }
0x78: {  	_ =	shalt  }
0x79: {  	_ =	shalt  }
0x7a: {  	_ =	shalt  }
0x7b: {  	_ =	shalt  }
0x7c: {  	_ =	shalt  }
0x7d: {  	_ =	shalt  }
0x7e: {  	_ =	shalt  }
0x7f: {  	_ =	shalt  }
0x80: {  	_ =	shalt  }
0x81: {  	_ =	shalt  }
0x82: {  	_ =	shalt  }
0x83: {  	_ =	shalt  }
0x84: {  	_ =	shalt  }
0x85: {  	_ =	shalt  }
0x86: {  	_ =	shalt  }
0x87: {  	_ =	shalt  }
.Lfunc_end0:
.L_simem_size_0:
called_computation_lowered:
.L_overlay_start_0:
0x88: {  	s2 =	sld [smem:$0x3FD9]  }
0x89: {  	s3 =	sld [smem:$0x3FFE];
	_ =	sdelay $0x1  }
0x8a: {  	s1 =	srdreg.scid  }
0x8b: {  	s0 =	sand.u32 $0x1, s1  }
0x8c: {  	s14 =	sshll.u32 s0, $0xA;
	s2 =	sadd.s32 s3, s2  }
0x8d: {  	s2 =	sadd.s32 s2, s14  }
0x8e: {  	[smem:$0x3FBD] =	sst s2  }
0x8f: {  	_ = 	snop  }
0x90: {  	s2 =	sld [smem:$0x3FD0];
	_ =	sdelay $0x2  }
0x91: {  	s15 =	simm.s32 $0xA;
	s4 =	simm.s32 $0x10  }
0x92: {  	[smem:s4], [sflag:s15] =	dma.local [hbm:s2], $0x1  }
0x93: {  	_ =	swait.eq [sflag:s15], $0x1  }
0x94: {  	s16 =	sld [smem:$0x10]  }
0x95: {  	s17 =	sld [smem:$0x11];
	[sflag:s15] =	ssyncset.done $0x0  }
0x96: {  	s5 =	sld [smem:$0x12];
	[sflag:s15] =	ssyncadd.s32 $0xFFFFFFFF  }
0x97: {  	s18 =	sld [smem:$0x14];
	(tm) =	ssettm $0x1  }
0x98: {  	s6 =	sld [smem:$0x3FFB];
	_ =	sdelay $0x3  }
0x99: {  	_ =	strace s6  }
0x9a: {  	s6 =	sld [smem:$0x3FFC];
	_ =	sdelay $0x3  }
0x9b: {  	_ =	strace s6  }
0x9c: {  	s6 =	sld [smem:$0x3FFD];
	_ =	sdelay $0x3  }
0x9d: {  	_ =	strace s6  }
0x9e: {  	_ =	strace $0x8FFFFFFF  }
0x9f: {  	s19 =	sld [smem:$0x3FDB];
	_ =	sdelay $0x1  }
0xa0: {  	s7 =	simm.s32 $_scs_section_size  }
0xa1: {  	s8 =	simm.s32 $_size__tile_overlayer_lowered;
	s9 =	simm.s32 $_tile_overlayer_lowered  }
0xa2: {  	s22 =	simm.s32 $0x1BFF;
	s21 =	sshll.u32 s9, $0x1;
	s6 =	sadd.s32 s7, s19  }
0xa3: {  	s10 =	simm.s32 $0x0;
	s20 =	sshll.u32 s8, $0x1;
	s8 =	sadd.s32 s21, s6  }
0xa4: {  	[timem:s10], [sflag:s22] =	dma.local [hbm:s8], s20  }
0xa5: {  	_ =	swait.ge [sflag:s22], s20  }
0xa6: {  	s7 =	ssub.s32 $0x0, s20;
	[sflag:s22] =	ssyncset.done $0x0  }
0xa7: {  	[sflag:s22] =	ssyncadd.s32 s7;
	_ =	sdelay $0x1  }
0xa8: {  	s23 =	simm.s32 $0x1B8B  }
0xa9: {  	_ =	swait.ge [sflag:s23], $0x1  }
0xaa: {  	[sflag:s23] =	ssyncset.done $0x0  }
0xab: {  	s25 =	simm.s32 $0x1B8E;
	s24 =	sld [smem:$0x3FFE];
	[sflag:s23] =	ssyncadd.s32 $0xFFFFFFFF  }
0xac: {  	s26 =	simm.s32 $execute0_lowered;
	[smem:$0x3FD2] =	sst s25  }
0xad: {  	s8 =	sshll.u32 s26, $0x1;
	_ =	strace $0x80000046;
	[dreg:$0x1] =	wrdreg $0xFFFFFFFF  }
0xae: {  	s28 =	simm.s32 $_size_execute0_lowered;
	s6 =	sadd.s32 s6, s8;
	[dreg:$0x0] =	wrdreg $0x0  }
0xaf: {  	s8 =	sshll.u32 s28, $0x1;
	[dreg:$0x2] =	wrdreg s6  }
0xb0: {  	[dreg:$0x3] =	wrdreg s8  }
0xb1: {  	[dreg:$0x4] =	wrdreg $0xC0  }
0xb2: {  	_ =	task [dreg:s10], $0x5FFFF  }
0xb3: {  	[dreg:$0x1] =	wrdreg $0xFFFFFFFF  }
0xb4: {  	[dreg:$0x0] =	wrdreg $0x60  }
0xb5: {  	[dreg:$0x2] =	wrdreg s24  }
0xb6: {  	[dreg:$0x3] =	wrdreg s5  }
0xb7: {  	[dreg:$0x4] =	wrdreg s17  }
0xb8: {  	[dreg:$0x5] =	wrdreg s18  }
0xb9: {  	[dreg:$0x6] =	wrdreg s16  }
0xba: {  	[dreg:$0x7] =	wrdreg $0x81000  }
0xbb: {  	[dreg:$0x8] =	wrdreg $0x9  }
0xbc: {  	_ =	task.clear_ibuf [dreg:s10], $0x9FFFF;
	_ =	strace $0x90000046  }
0xbd: {  	s29 =	simm.s32 $0x9;
	_ =	strace $0x80000048  }
0xbe: {  	_ =	swait.ge [sflag:s29], $0x1  }
0xbf: {  	[sflag:s29] =	ssyncadd.s32 $0xFFFFFFFF  }
0xc0: {  	_ =	strace $0x90000048  }
0xc1: {  	_ =	sfence  }
0xc2: {  	s30 =	sld [smem:$0x0];
	_ =	sdelay $0x2  }
0xc3: {  	s31 =	sshll.u32 s1, $0xD;
	s1 =	sshrl.u32 s1, $0x2  }
0xc4: {  	s3 =	sand.u32 $0x4000, s31;
	s1 =	sadd.s32 s1, s30  }
0xc5: {  	s0 =	sor.u32 s3, s0;
	s1 =	sshll.u32 s1, $0x11  }
0xc6: {  	s0 =	sor.u32 s1, s0  }
0xc7: {  	s0 =	sadd.s32 $0x8F2B, s0  }
0xc8: {  	[sflag:s0] =	ssyncadd.remote.s32 $0x1  }
0xc9: {  	_ =	sfence.sel $0xFFFF  }
0xca: {  	[dreg:$0x0] =	wrdreg $0xFFFFFFFF;
	(pc) =	sbr.abs _section_cstart, $3  }
0xcb: {  	[dreg:$0x1] =	wrdreg $0xFFFFFFFF  }
0xcc: {  	_ =	task.clear_ibuf [dreg:s10], $0x2FFFF;
	_ =	strace $0x9FFFFFFF  }
0xcd: {  	(tm) =	ssettm $0x7FFFFFFF  }
tec
execute0_lowered:
.L_overlay_start_1:
0x0: {  	(tag) =	ssettag $0x1  }
0x1: {  	s0 =	rddreg [dreg:$0x0]  }
0x2: {  	s1 =	rddreg [dreg:$0x1]  }
0x3: {  	s2 =	rddreg [dreg:$0x2]  }
0x4: {  	s6 =	rddreg [dreg:$0x4]  }
0x5: {  	s4 =	rddreg [dreg:$0x5]  }
0x6: {  	s8 =	srdreg.scid;
	s3 =	stileid.u32  }
0x7: {  	s5 =	simm.s32 $0x0;
	s16 =	sand.u32 $0x1, s8;
	s8 =	smul.u32 $0x32, s3  }
0x8: {  	s21 =	simm.s32 $0x3;
	s28 =	simm.s32 $0x0;
	s11 =	smul.u32 $0x320, s3  }
0x9: {  	[smem:$0x7FF] =	sst s5;
	s7 =	sadd.s32 $0x62F400, s0;
	s13 =	smul.u32 $0x19, s3  }
0xa: {  	s17 =	sadd.s32 $0x192000, s0;
	s14 =	sshll.u32 s3, $0xD;
	s15 =	smul.u32 $0x19000, s3  }
0xb: {  	s22 =	sshll.u32 s3, $0x10;
	s23 =	sshll.u32 s3, $0x6;
	s31 =	smul.u32 $0x190, s3  }
0xc: {  	_ =	strace $0x80000047;
	s9 =	ssub.s32 $0x2, s16;
	s12 =	smul.u32 $0x190, s16  }
0xd: {  	s0 =	sadd.s32 s14, s0;
	s20 =	sadd.s32 s22, s4;
	s26 =	smul.u32 $0x320000, s16  }
0xe: {  	s25 =	sshll.u32 s16, $0x11;
	s6 =	sadd.s32 s6, s14;
	s29 =	smul.u32 $0x1900, s16  }
0xf: {  	s22 =	simm.s32 $0x100;
	s10 =	sshrl.u32 s9, $0x1;
	s20 =	sshrl.u32 s20, $0x3  }
0x10: {  	s18 =	ssub.s32 s9, s10;
	s9 =	sor.u32 $0x1C03, s23;
	s10 =	sadd.s32 s1, s11  }
0x11: {  	s11 =	sshll.u32 s16, $0x1;
	s19 =	sadd.s32 s13, s12;
	s12 =	sadd.s32 s15, s7  }
0x12: {  	s13 =	sadd.s32 $0x2000, s0;
	s15 =	sadd.s32 s25, s6;
	s23 =	simm.s32 $0x1  }
0x13: {  	s25 =	simm.s32 $0x4100;
	s24 =	sshll.u32 s19, $0x4;
	s16 =	smax.u32 s18, $0x1  }
0x14: {  	s30 =	sadd.s32 s26, s12;
	s6 =	sadd.s32 $0x10, s10;
	s0 =	sadd.s32 s17, s24  }
0x15: {  	s26 =	simm.s32 $0x2;
	[dreg:$0x7] =	wrdreg s0;
	s0 =	sadd.s32 s29, s17  }
0x16: {  	s18 =	sadd.s32 $0x800, s30;
	s24 =	simm.s32 $0x80;
	s19 =	sadd.s32 s31, s0  }
.LBB2_1:
0x17: {  	p1 =	por $0x1, $0x1;
	s0 =	simm.s32 $0x0  }
.LBB2_2:
0x18: {  	[spmem:s20], [sflag:s9] =	dma.local [hbm:s2], $0x2000  }
0x19: {  	_ =	swait.ge [sflag:s21], $0x2000  }
0x1a: {  	[sflag:s21] =	ssyncset.done $0x0  }
0x1b: {  	s29 =	sor.u32 s11, s0;
	[sflag:s21] =	ssyncadd.s32 $0xFFFFE000  }
0x1c: {  	s17 =	simm.s32 $0x0;
	s30 =	smul.u32 $0x190000, s29;
	[bflag:$0x0] =	sbarrier.arrive $0xFFFF  }
0x1d: {  	[tilespmem:s17], [sflag:$0x1] =	stream.linear.gather [hbm4b:s10+s17], $0x80, $0x38;
	[tilespmem:$0x18140] =	vst v63  }
0x1e: {  	s30 =	sadd.s32 s12, s30  }
0x1f: {  	[tilespmem:s22], [sflag:$0x1] =	stream.linear.gather [hbm4b:s30+s17], $0x4000, $0x38;
	[tilespmem:$0x18140] =	vst v63  }
0x20: {  	_ =	swait.ge [sflag:s23], $0x80  }
0x21: {  	[sflag:s23] =	ssyncset.done $0x0  }
0x22: {  	[sflag:s23] =	ssyncadd.s32 $0xFFFFFF80  }
0x23: {  	_ =	swait.ge [sflag:s23], $0x4000  }
0x24: {  	[sflag:s23] =	ssyncset.done $0x0  }
0x25: {  	s3 =	smul.u32 $0x190000, s0;
	[sflag:s23] =	ssyncadd.s32 $0xFFFFC000  }
0x26: {  	[tilespmem:s24], [sflag:$0x2] =	stream.linear.gather [hbm4b:s6+s5], $0x80, $0x38;
	[tilespmem:$0x18140] =	vst v63  }
0x27: {  	s30 =	sadd.s32 s3, s18  }
0x28: {  	[tilespmem:s25], [sflag:$0x2] =	stream.linear.gather [hbm4b:s30+s5], $0x4000, $0x38;
	[tilespmem:$0x18140] =	vst v63  }
0x29: {  	_ = 	snop  }
0x2a: {  	[spmem:s4] =	stream.indirect.scatter.add.f32 [tilespmem:s22], [sflag:$0x3], $0x80, s5, s24, $0xb8;
	[tilespmem:$0x18140] =	vst v63  }
0x2b: {  	_ =	swait.ge [sflag:s21], $0x4000  }
0x2c: {  	[sflag:s21] =	ssyncset.done $0x0  }
0x2d: {  	s0 =	sadd.s32 $0x0, s8;
	[sflag:s21] =	ssyncadd.s32 $0xFFFFC000  }
0x2e: {  	p0 =	slt.s32 s0, $0x31D;
	_ =	swait.ge [sflag:s26], $0x80  }
0x2f: {  	s0 =	simm.s32 @!p0 $0x31D;
	[sflag:s26] =	ssyncset.done $0x0  }
0x30: {  	s31 =	smul.u32 $0x19000, s29;
	s0 =	sshll.u32 s0, $0x7;
	[sflag:s26] =	ssyncadd.s32 $0xFFFFFF80  }
0x31: {  	s0 =	sadd.s32 $0x100, s0;
	_ =	swait.ge [sflag:s26], $0x4000  }
0x32: {  	s14 =	sshrl.u32 s0, $0x3;
	s0 =	sadd.s32 s31, s0;
	[sflag:s26] =	ssyncset.done $0x0  }
0x33: {  	s0 =	sshll.u32 s0, $0x4;
	s17 =	sadd.s32 s1, s14;
	[sflag:s26] =	ssyncadd.s32 $0xFFFFC000  }
0x34: {  	[tilespmem:s5], [sflag:$0x1] =	stream.linear.gather [hbm4b:s17+s5], $0x80, $0x38;
	[tilespmem:$0x18140] =	vst v63  }
0x35: {  	s0 =	sadd.s32 s7, s0  }
0x36: {  	[tilespmem:s22], [sflag:$0x1] =	stream.linear.gather [hbm4b:s0+s5], $0x4000, $0x38;
	[tilespmem:$0x18140] =	vst v63  }
0x37: {  	_ = 	snop  }
0x38: {  	[spmem:s4] =	stream.indirect.scatter.add.f32 [tilespmem:s25], [sflag:$0x3], $0x80, s24, s24, $0xb8;
	[tilespmem:$0x18140] =	vst v63  }
0x39: {  	p0 =	por p1, p1;
	_ =	swait.ge [sflag:s21], $0x4000  }
0x3a: {  	s17 =	smov.u32 s6;
	s0 =	simm.s32 $0x2;
	[sflag:s21] =	ssyncset.done $0x0  }
.LBB2_3:
0x3b: {  	[sflag:s21] =	ssyncadd.s32 $0xFFFFC000;
	s17 =	sadd.s32 $0x20, s17;
	s30 =	sadd.s32 $0x1000, s30  }
0x3c: {  	p1 =	sne.s32 s0, $0x30;
	s3 =	smov.u32 s0;
	s0 =	sadd.s32 $0x2, s0  }
0x3d: {  	_ =	swait.ge [sflag:s23], $0x80  }
0x3e: {  	[sflag:s23] =	ssyncset.done $0x0  }
0x3f: {  	[sflag:s23] =	ssyncadd.s32 $0xFFFFFF80  }
0x40: {  	_ =	swait.ge [sflag:s23], $0x4000  }
0x41: {  	[sflag:s23] =	ssyncset.done $0x0  }
0x42: {  	[sflag:s23] =	ssyncadd.s32 $0xFFFFC000  }
0x43: {  	[tilespmem:s24], [sflag:$0x2] =	stream.linear.gather [hbm4b:s17+s5], $0x80, $0x38;
	[tilespmem:$0x18140] =	vst v63  }
0x44: {  	_ = 	snop  }
0x45: {  	[tilespmem:s25], [sflag:$0x2] =	stream.linear.gather [hbm4b:s30+s5], $0x4000, $0x38;
	[tilespmem:$0x18140] =	vst v63  }
0x46: {  	_ = 	snop  }
0x47: {  	[spmem:s4] =	stream.indirect.scatter.add.f32 [tilespmem:s22], [sflag:$0x3], $0x80, s5, s24, $0xb8;
	[tilespmem:$0x18140] =	vst v63  }
0x48: {  	_ =	swait.ge [sflag:s21], $0x4000  }
0x49: {  	[sflag:s21] =	ssyncset.done $0x0  }
0x4a: {  	s3 =	sadd.s32 s3, s8;
	[sflag:s21] =	ssyncadd.s32 $0xFFFFC000  }
0x4b: {  	p2 =	slt.s32 s3, $0x31D;
	_ =	swait.ge [sflag:s26], $0x80  }
0x4c: {  	s3 =	simm.s32 @!p2 $0x31D;
	[sflag:s26] =	ssyncset.done $0x0  }
0x4d: {  	s3 =	sshll.u32 s3, $0x7;
	[sflag:s26] =	ssyncadd.s32 $0xFFFFFF80  }
0x4e: {  	s3 =	sadd.s32 $0x100, s3;
	_ =	swait.ge [sflag:s26], $0x4000  }
0x4f: {  	s14 =	sshrl.u32 s3, $0x3;
	s3 =	sadd.s32 s31, s3;
	[sflag:s26] =	ssyncset.done $0x0  }
0x50: {  	s14 =	sadd.s32 s1, s14;
	s3 =	sshll.u32 s3, $0x4;
	[sflag:s26] =	ssyncadd.s32 $0xFFFFC000  }
0x51: {  	[tilespmem:s5], [sflag:$0x1] =	stream.linear.gather [hbm4b:s14+s5], $0x80, $0x38;
	[tilespmem:$0x18140] =	vst v63  }
0x52: {  	s3 =	sadd.s32 s7, s3  }
0x53: {  	[tilespmem:s22], [sflag:$0x1] =	stream.linear.gather [hbm4b:s3+s5], $0x4000, $0x38;
	[tilespmem:$0x18140] =	vst v63  }
.Ltmp0:
0x54: {  	_ = 	snop;
	(pc) =	sbr.rel @p1 .LBB2_3-.Ltmp0, $4  }
0x55: {  	_ = 	snop  }
0x56: {  	[spmem:s4] =	stream.indirect.scatter.add.f32 [tilespmem:s25], [sflag:$0x3], $0x80, s24, s24, $0xb8;
	[tilespmem:$0x18140] =	vst v63  }
0x57: {  	_ =	swait.ge [sflag:s21], $0x4000  }
0x58: {  	[sflag:s21] =	ssyncset.done $0x0  }
0x59: {  	[sflag:s21] =	ssyncadd.s32 $0xFFFFC000;
	s0 =	simm.s32 $0x1  }
0x5a: {  	_ =	swait.ge [sflag:s0], $0x80  }
0x5b: {  	[sflag:s0] =	ssyncset.done $0x0  }
0x5c: {  	[sflag:s0] =	ssyncadd.s32 $0xFFFFFF80  }
0x5d: {  	_ =	swait.ge [sflag:s0], $0x4000  }
0x5e: {  	[sflag:s0] =	ssyncset.done $0x0  }
0x5f: {  	s3 =	sshll.u32 s29, $0x11;
	[sflag:s0] =	ssyncadd.s32 $0xFFFFC000  }
.Ltmp1:
0x60: {  	s3 =	sadd.s32 s3, s13;
	[bflag:$0x0] =	sbarrier.arrive $0xFFFF;
	(pc) =	sbr.rel @p0 .LBB2_2-.Ltmp1, $4  }
0x61: {  	[hbm:s3], [sflag:s9] =	dma.local [spmem:s20], $0x2000  }
0x62: {  	_ =	swait.ge [sflag:s21], $0x2000  }
0x63: {  	[sflag:s21] =	ssyncset.done $0x0  }
0x64: {  	p1 =	por $0x0, $0x0;
	[sflag:s21] =	ssyncadd.s32 $0xFFFFE000  }
0x65: {  	[spmem:s20], [sflag:s9] =	dma.local [hbm:s2], $0x2000  }
0x66: {  	_ =	swait.ge [sflag:s21], $0x2000  }
0x67: {  	[sflag:s21] =	ssyncset.done $0x0  }
0x68: {  	[sflag:s21] =	ssyncadd.s32 $0xFFFFE000  }
0x69: {  	[bflag:$0x0] =	sbarrier.arrive $0xFFFF  }
0x6a: {  	s0 =	rddreg [dreg:$0x3]  }
0x6b: {  	[tilespmem:s22], [sflag:$0x3] =	stream.linear.gather [hbm4b:s0+s5], $0x4000, $0x38;
	[tilespmem:$0x18140] =	vst v63  }
0x6c: {  	_ =	swait.ge [sflag:s21], $0x4000  }
0x6d: {  	[sflag:s21] =	ssyncset.done $0x0  }
0x6e: {  	s30 =	rddreg [dreg:$0x7];
	[sflag:s21] =	ssyncadd.s32 $0xFFFFC000  }
0x6f: {  	[tilespmem:s5], [sflag:$0x1] =	stream.linear.gather [hbm4b:s30+s5], $0x80, $0x38;
	[tilespmem:$0x18140] =	vst v63  }
0x70: {  	_ =	swait.ge [sflag:s23], $0x80  }
0x71: {  	s31 =	sadd.s32 $0xFFFFFE80, s19;
	[sflag:s23] =	ssyncset.done $0x0  }
0x72: {  	s3 =	sadd.s32 $0x190, s31;
	[sflag:s23] =	ssyncadd.s32 $0xFFFFFF80  }
0x73: {  	[tilespmem:s24], [sflag:$0x2] =	stream.linear.gather [hbm4b:s3+s5], $0x80, $0x38;
	[tilespmem:$0x18140] =	vst v63  }
0x74: {  	_ = 	snop  }
0x75: {  	[spmem:s4] =	stream.indirect.scatter.add.f32 [tilespmem:s22], [sflag:$0x3], $0x80, s5, s24, $0xb8;
	[tilespmem:$0x18140] =	vst v63  }
0x76: {  	_ =	swait.ge [sflag:s21], $0x4000  }
0x77: {  	[sflag:s21] =	ssyncset.done $0x0  }
0x78: {  	[sflag:s21] =	ssyncadd.s32 $0xFFFFC000  }
0x79: {  	_ =	swait.ge [sflag:s26], $0x80  }
0x7a: {  	[sflag:s26] =	ssyncset.done $0x0  }
0x7b: {  	s0 =	sadd.s32 $0x1A0, s31;
	[sflag:s26] =	ssyncadd.s32 $0xFFFFFF80  }
0x7c: {  	[tilespmem:s5], [sflag:$0x1] =	stream.linear.gather [hbm4b:s0+s5], $0x80, $0x38;
	[tilespmem:$0x18140] =	vst v63  }
0x7d: {  	_ = 	snop  }
0x7e: {  	[spmem:s4] =	stream.indirect.scatter.add.f32 [tilespmem:s22], [sflag:$0x3], $0x80, s24, s24, $0xb8;
	[tilespmem:$0x18140] =	vst v63  }
0x7f: {  	_ =	swait.ge [sflag:s21], $0x4000  }
0x80: {  	s0 =	simm.s32 $0xFFFFFEA0;
	[sflag:s21] =	ssyncset.done $0x0  }
.LBB2_6:
0x81: {  	p0 =	sne.s32 s0, $0xFFFFFFE0  }
0x82: {  	[sflag:s21] =	ssyncadd.s32 $0xFFFFC000;
	s3 =	smov.u32 s0;
	s0 =	sadd.s32 $0x20, s0  }
0x83: {  	_ = 	snop  }
0x84: {  	_ =	swait.ge [sflag:s23], $0x80  }
0x85: {  	s3 =	sadd.s32 s3, s19;
	[sflag:s23] =	ssyncset.done $0x0  }
0x86: {  	s14 =	sadd.s32 $0x190, s3;
	[sflag:s23] =	ssyncadd.s32 $0xFFFFFF80  }
0x87: {  	[tilespmem:s24], [sflag:$0x2] =	stream.linear.gather [hbm4b:s14+s5], $0x80, $0x38;
	[tilespmem:$0x18140] =	vst v63  }
0x88: {  	_ = 	snop  }
0x89: {  	[spmem:s4] =	stream.indirect.scatter.add.f32 [tilespmem:s22], [sflag:$0x3], $0x80, s5, s24, $0xb8;
	[tilespmem:$0x18140] =	vst v63  }
0x8a: {  	_ =	swait.ge [sflag:s21], $0x4000  }
0x8b: {  	[sflag:s21] =	ssyncset.done $0x0  }
0x8c: {  	[sflag:s21] =	ssyncadd.s32 $0xFFFFC000  }
0x8d: {  	_ =	swait.ge [sflag:s26], $0x80  }
0x8e: {  	[sflag:s26] =	ssyncset.done $0x0  }
0x8f: {  	s3 =	sadd.s32 $0x1A0, s3;
	[sflag:s26] =	ssyncadd.s32 $0xFFFFFF80  }
0x90: {  	[tilespmem:s5], [sflag:$0x1] =	stream.linear.gather [hbm4b:s3+s5], $0x80, $0x38;
	[tilespmem:$0x18140] =	vst v63  }
.Ltmp2:
0x91: {  	_ = 	snop;
	(pc) =	sbr.rel @p0 .LBB2_6-.Ltmp2, $4  }
0x92: {  	_ = 	snop  }
0x93: {  	[spmem:s4] =	stream.indirect.scatter.add.f32 [tilespmem:s22], [sflag:$0x3], $0x80, s24, s24, $0xb8;
	[tilespmem:$0x18140] =	vst v63  }
0x94: {  	_ =	swait.ge [sflag:s21], $0x4000  }
0x95: {  	[sflag:s21] =	ssyncset.done $0x0  }
0x96: {  	[sflag:s21] =	ssyncadd.s32 $0xFFFFC000  }
0x97: {  	_ =	swait.ge [sflag:s23], $0x80  }
0x98: {  	[sflag:s23] =	ssyncset.done $0x0  }
0x99: {  	[sflag:s23] =	ssyncadd.s32 $0xFFFFFF80  }
0x9a: {  	[spmem:s4] =	stream.indirect.scatter.add.f32 [tilespmem:s22], [sflag:$0x3], $0x80, s5, s24, $0xb8;
	[tilespmem:$0x18140] =	vst v63  }
0x9b: {  	_ =	swait.ge [sflag:s21], $0x4000  }
0x9c: {  	s28 =	sadd.s32 $0x1, s28;
	[sflag:s21] =	ssyncset.done $0x0  }
0x9d: {  	p0 =	sne.s32 s28, s16;
	[sflag:s21] =	ssyncadd.s32 $0xFFFFC000  }
.Ltmp3:
0x9e: {  	[bflag:$0x0] =	sbarrier.arrive $0xFFFF;
	(pc) =	sbr.rel @p0 .LBB2_1-.Ltmp3, $4  }
0x9f: {  	[hbm:s15], [sflag:s9] =	dma.local [spmem:s20], $0x2000  }
0xa0: {  	_ =	swait.ge [sflag:s21], $0x2000  }
0xa1: {  	[sflag:s21] =	ssyncset.done $0x0  }
0xa2: {  	[sflag:s21] =	ssyncadd.s32 $0xFFFFE000  }
0xa3: {  	_ =	sfence.sel $0x180000  }
0xa4: {  	[bflag:$0x0] =	sbarrier.arrive $0xFFFF  }
0xa5: {  	_ =	strace $0x90000047  }
0xa6: {  	s0 =	stileid.u32;
	[bflag:$0x2] =	sbarrier.arrive $0xFFFF  }
0xa7: {  	p0 =	sne.s32 s0, $0x0;
	s0 =	rddreg [dreg:$0x6]  }
0xa8: {  	s0 =	sadd.s32 @!p0 $0x100000, s0  }
0xa9: {  	[sflag:s0] =	ssyncadd.tile.s32 @!p0 $0x1;
	_ =	shalt  }
.Lfunc_end2:
_tile_overlayer_lowered:
.L_overlay_start_2:
0xaa: {  	(tag) =	ssettag $0x2  }
0xab: {  	s0 =	rddreg [dreg:$0x0];
	s2 =	stileid.u32  }
0xac: {  	s1 =	rddreg [dreg:$0x1];
	p0 =	sne.s32 s2, $0x0  }
0xad: {  	s3 =	rddreg [dreg:$0x2];
	[bflag:$0x3] =	sbarrier.arrive $0xFFFF;
	s2 =	simm.s32 @!p0 $0x1C03  }
0xae: {  	[timem:s3], [sflag:s2] =	dma.local @!p0 [hbm:s0], s1  }
0xaf: {  	s0 =	simm.s32 @!p0 $0x3  }
0xb0: {  	_ =	swait.ge @!p0 [sflag:s0], s1  }
0xb1: {  	s1 =	ssub.s32 @!p0 $0x0, s1;
	[sflag:s0] =	ssyncset.done @!p0 $0x0  }
0xb2: {  	[sflag:s0] =	ssyncadd.s32 @!p0 s1  }
0xb3: {  	[bflag:$0x3] =	sbarrier.arrive $0xFFFF  }
0xb4: {  	_ =	shalt  }

// kernel: kernel.9.cloned.1.call-start
scs
__scs_entry_jumppad:
0x0: {  	(pc) =	sbr.rel $0x88, $3  }
0x1: {  	(tag) =	ssettag $0x0;
	lr =	simm.s32 $0x1  }
0x2: {  	[smem:$0x3F96] =	sst lr;
	_ =	strace $0xD0000000  }
0x3: {  	_ = 	snop  }
0x4: {  	_ = 	snop  }
0x5: {  	_ = 	snop  }
0x6: {  	_ = 	snop  }
0x7: {  	_ = 	snop  }
__scs_overlays_trampoline_lowered:
0x8: {  	[smem:$0x3FA5] =	sst s0  }
0x9: {  	[smem:$0x3FA6] =	sst s1  }
0xa: {  	[smem:$0x3FA7] =	sst s2  }
0xb: {  	[smem:$0x3FA8] =	sst s3  }
0xc: {  	[smem:$0x3FA9] =	sst s4  }
0xd: {  	[smem:$0x3FAA] =	sst s5  }
0xe: {  	[smem:$0x3FAB] =	sst s6  }
0xf: {  	[smem:$0x3FAC] =	sst s7  }
0x10: {  	[smem:$0x3FAD] =	sst s8  }
0x11: {  	[smem:$0x3FAE] =	sst s9;
	s0 =	simm.s32 @!p0 $0x0  }
0x12: {  	s1 =	sld [smem:$0x3F94];
	s0 =	simm.s32 @p0 $0x1  }
0x13: {  	[smem:$0x3FAF] =	sst s0;
	s0 =	simm.s32 @!p1 $0x0  }
0x14: {  	s2 =	sld [smem:$0x3F93];
	s0 =	simm.s32 @p1 $0x1  }
0x15: {  	[smem:$0x3FB0] =	sst s0;
	s0 =	simm.s32 @!p2 $0x0  }
0x16: {  	s3 =	sld [smem:$0x3FDB];
	s0 =	simm.s32 @p2 $0x1  }
0x17: {  	s4 =	simm.s32 $0x1BF5;
	[smem:$0x3FB2] =	sst s0  }
0x18: {  	s0 =	sld [smem:$0x3F95];
	_ =	swait.ge [sflag:s4], $0x0  }
0x19: {  	s7 =	sld [smem:$0x3F96]  }
0x1a: {  	s8 =	sadd.s32 $0xFFFFE003, lr  }
0x1b: {  	s9 =	sadd.s32 $0xFFFFFEF7, lr;
	s5 =	simm.s32 $0xFFFFFFFF;
	p2 =	slt.u32 s8, $0xFFFFF086  }
0x1c: {  	p1 =	slt.u32 s9, $0xF7A;
	s5 =	simm.s32 @!p2 $0x0  }
0x1d: {  	s5 =	simm.s32 @p1 $0x1;
	p0 =	seq.s32 s7, s2  }
0x1e: {  	s7 =	smul.u32 @!p0 $0xF7A, s2;
	p2 =	seq.s32 @!p0 s5, $0x0  }
0x1f: {  	s9 =	smul.u32 $0xF7A, s1;
	s8 =	simm.s32 @!p0 $0x1BF5;
	p2 =	por !p2, p0  }
0x20: {  	[sflag:s8] =	ssyncset.s32 @!p0 $0xFFFFF086;
	s6 =	sadd.s32 @!p0 s3, s7;
	s7 =	simm.s32 @!p0 $0x108  }
0x21: {  	s3 =	sadd.s32 s3, s9;
	s6 =	sadd.s32 @!p0 $0x88, s6;
	s7 =	simm.s32 @p2 $0x1082  }
0x22: {  	[simem:s7], [sflag:s8] =	dma.local @!p0 [hbm:s6], $0xF7A  }
0x23: {  	s9 =	sor.u32 $0xD0000000, s2;
	s6 =	simm.s32 $0x108;
	_ =	swait.ge @!p0 [sflag:s8], $0x0  }
0x24: {  	s3 =	sadd.s32 $0x88, s3;
	s6 =	simm.s32 @!p1 $0x1082;
	[sflag:s4] =	ssyncset.s32 $0xFFFFF086  }
0x25: {  	[simem:s6], [sflag:s4] =	dma.local [hbm:s3], $0xF7A  }
0x26: {  	[smem:$0x3F96] =	sst s1;
	(tag) =	ssettag s2;
	_ =	strace s9  }
0x27: {  	s1 =	sld [smem:$0x3FA6]  }
0x28: {  	s2 =	sld [smem:$0x3FA7]  }
0x29: {  	s4 =	sld [smem:$0x3FA9]  }
0x2a: {  	p0 =	seq.s32 s5, $0x0;
	s5 =	sld [smem:$0x3FAA]  }
0x2b: {  	s6 =	sld [smem:$0x3FAB]  }
0x2c: {  	s7 =	sld [smem:$0x3FAC]  }
0x2d: {  	s3 =	simm.s32 $0x108;
	s8 =	sld [smem:$0x3FAD]  }
0x2e: {  	s3 =	simm.s32 @!p0 $0x1082;
	s9 =	sld [smem:$0x3FAE]  }
0x2f: {  	lr =	sadd.s32 s0, s3;
	s0 =	sld [smem:$0x3FA5]  }
0x30: {  	s3 =	sld [smem:$0x3FA8]  }
0x31: {  	[smem:$0x3FB1] =	sst s10  }
0x32: {  	s10 =	sld [smem:$0x3FAF];
	_ =	sdelay $0x3  }
0x33: {  	p0 =	seq.s32 s10, $0x1;
	s10 =	sld [smem:$0x3FB1];
	_ =	sdelay $0x3  }
0x34: {  	[smem:$0x3FB1] =	sst s10  }
0x35: {  	s10 =	sld [smem:$0x3FB0];
	_ =	sdelay $0x3  }
0x36: {  	p1 =	seq.s32 s10, $0x1;
	s10 =	sld [smem:$0x3FB1];
	_ =	sdelay $0x3  }
0x37: {  	[smem:$0x3FB1] =	sst s10  }
0x38: {  	s10 =	sld [smem:$0x3FB2]  }
0x39: {  	_ = 	snop;
	(pc) =	sbr.ind lr, $3  }
0x3a: {  	_ = 	snop  }
0x3b: {  	_ = 	snop  }
0x3c: {  	p2 =	seq.s32 s10, $0x1;
	s10 =	sld [smem:$0x3FB1]  }
0x3d: {  	_ =	shalt  }
0x3e: {  	_ =	shalt  }
0x3f: {  	_ =	shalt  }
0x40: {  	_ =	shalt  }
0x41: {  	_ =	shalt  }
0x42: {  	_ =	shalt  }
0x43: {  	_ =	shalt  }
0x44: {  	_ =	shalt  }
0x45: {  	_ =	shalt  }
0x46: {  	_ =	shalt  }
0x47: {  	_ =	shalt  }
0x48: {  	_ =	shalt  }
0x49: {  	_ =	shalt  }
0x4a: {  	_ =	shalt  }
0x4b: {  	_ =	shalt  }
0x4c: {  	_ =	shalt  }
0x4d: {  	_ =	shalt  }
0x4e: {  	_ =	shalt  }
0x4f: {  	_ =	shalt  }
0x50: {  	_ =	shalt  }
0x51: {  	_ =	shalt  }
0x52: {  	_ =	shalt  }
0x53: {  	_ =	shalt  }
0x54: {  	_ =	shalt  }
0x55: {  	_ =	shalt  }
0x56: {  	_ =	shalt  }
0x57: {  	_ =	shalt  }
0x58: {  	_ =	shalt  }
0x59: {  	_ =	shalt  }
0x5a: {  	_ =	shalt  }
0x5b: {  	_ =	shalt  }
0x5c: {  	_ =	shalt  }
0x5d: {  	_ =	shalt  }
0x5e: {  	_ =	shalt  }
0x5f: {  	_ =	shalt  }
0x60: {  	_ =	shalt  }
0x61: {  	_ =	shalt  }
0x62: {  	_ =	shalt  }
0x63: {  	_ =	shalt  }
0x64: {  	_ =	shalt  }
0x65: {  	_ =	shalt  }
0x66: {  	_ =	shalt  }
0x67: {  	_ =	shalt  }
0x68: {  	_ =	shalt  }
0x69: {  	_ =	shalt  }
0x6a: {  	_ =	shalt  }
0x6b: {  	_ =	shalt  }
0x6c: {  	_ =	shalt  }
0x6d: {  	_ =	shalt  }
0x6e: {  	_ =	shalt  }
0x6f: {  	_ =	shalt  }
0x70: {  	_ =	shalt  }
0x71: {  	_ =	shalt  }
0x72: {  	_ =	shalt  }
0x73: {  	_ =	shalt  }
0x74: {  	_ =	shalt  }
0x75: {  	_ =	shalt  }
0x76: {  	_ =	shalt  }
0x77: {  	_ =	shalt  }
0x78: {  	_ =	shalt  }
0x79: {  	_ =	shalt  }
0x7a: {  	_ =	shalt  }
0x7b: {  	_ =	shalt  }
0x7c: {  	_ =	shalt  }
0x7d: {  	_ =	shalt  }
0x7e: {  	_ =	shalt  }
0x7f: {  	_ =	shalt  }
0x80: {  	_ =	shalt  }
0x81: {  	_ =	shalt  }
0x82: {  	_ =	shalt  }
0x83: {  	_ =	shalt  }
0x84: {  	_ =	shalt  }
0x85: {  	_ =	shalt  }
0x86: {  	_ =	shalt  }
0x87: {  	_ =	shalt  }
.Lfunc_end0:
.L_simem_size_0:
called_computation.1_lowered:
.L_overlay_start_0:
0x88: {  	s2 =	sld [smem:$0x3FD9]  }
0x89: {  	s3 =	sld [smem:$0x3FFE];
	_ =	sdelay $0x1  }
0x8a: {  	s1 =	srdreg.scid  }
0x8b: {  	s0 =	sand.u32 $0x1, s1  }
0x8c: {  	s14 =	sshll.u32 s0, $0xA;
	s2 =	sadd.s32 s3, s2  }
0x8d: {  	s2 =	sadd.s32 s2, s14  }
0x8e: {  	[smem:$0x3FBD] =	sst s2  }
0x8f: {  	_ = 	snop  }
0x90: {  	s2 =	sld [smem:$0x3FD0];
	_ =	sdelay $0x2  }
0x91: {  	s15 =	simm.s32 $0xA;
	s4 =	simm.s32 $0x10  }
0x92: {  	[smem:s4], [sflag:s15] =	dma.local [hbm:s2], $0x1  }
0x93: {  	_ =	swait.eq [sflag:s15], $0x1  }
0x94: {  	[sflag:s15] =	ssyncset.done $0x0  }
0x95: {  	[sflag:s15] =	ssyncadd.s32 $0xFFFFFFFF  }
0x96: {  	s16 =	sld [smem:$0x14];
	(tm) =	ssettm $0x1  }
0x97: {  	s17 =	sld [smem:$0x3FFB];
	_ =	sdelay $0x3  }
0x98: {  	_ =	strace s17  }
0x99: {  	s3 =	sld [smem:$0x3FFC];
	_ =	sdelay $0x3  }
0x9a: {  	_ =	strace s3  }
0x9b: {  	s3 =	sld [smem:$0x3FFD];
	_ =	sdelay $0x3  }
0x9c: {  	_ =	strace s3  }
0x9d: {  	_ =	strace $0x8FFFFFFF  }
0x9e: {  	s18 =	sld [smem:$0x3FDB];
	_ =	sdelay $0x1  }
0x9f: {  	s19 =	simm.s32 $_scs_section_size  }
0xa0: {  	s5 =	simm.s32 $_size__tile_overlayer_lowered;
	s6 =	simm.s32 $_tile_overlayer_lowered  }
0xa1: {  	s22 =	simm.s32 $0x1BFF;
	s21 =	sshll.u32 s6, $0x1;
	s3 =	sadd.s32 s19, s18  }
0xa2: {  	s7 =	simm.s32 $0x0;
	s20 =	sshll.u32 s5, $0x1;
	s5 =	sadd.s32 s21, s3  }
0xa3: {  	[timem:s7], [sflag:s22] =	dma.local [hbm:s5], s20  }
0xa4: {  	_ =	swait.ge [sflag:s22], s20  }
0xa5: {  	s4 =	ssub.s32 $0x0, s20;
	[sflag:s22] =	ssyncset.done $0x0  }
0xa6: {  	[sflag:s22] =	ssyncadd.s32 s4;
	_ =	sdelay $0x1  }
0xa7: {  	s23 =	simm.s32 $0x1B8B  }
0xa8: {  	_ =	swait.ge [sflag:s23], $0x1  }
0xa9: {  	[sflag:s23] =	ssyncset.done $0x0  }
0xaa: {  	s25 =	simm.s32 $0x1B8E;
	s24 =	sld [smem:$0x3FFE];
	[sflag:s23] =	ssyncadd.s32 $0xFFFFFFFF  }
0xab: {  	s26 =	simm.s32 $execute0_lowered;
	[smem:$0x3FD2] =	sst s25  }
0xac: {  	s5 =	sshll.u32 s26, $0x1;
	_ =	strace $0x80000049;
	[dreg:$0x1] =	wrdreg $0xFFFFFFFF  }
0xad: {  	s28 =	simm.s32 $_size_execute0_lowered;
	s3 =	sadd.s32 s3, s5;
	[dreg:$0x0] =	wrdreg $0x0  }
0xae: {  	s5 =	sshll.u32 s28, $0x1;
	[dreg:$0x2] =	wrdreg s3  }
0xaf: {  	[dreg:$0x3] =	wrdreg s5  }
0xb0: {  	[dreg:$0x4] =	wrdreg $0xC0  }
0xb1: {  	_ =	task [dreg:s7], $0x5FFFF  }
0xb2: {  	[dreg:$0x1] =	wrdreg $0xFFFFFFFF  }
0xb3: {  	[dreg:$0x0] =	wrdreg $0x60  }
0xb4: {  	[dreg:$0x2] =	wrdreg s16  }
0xb5: {  	[dreg:$0x3] =	wrdreg s24  }
0xb6: {  	[dreg:$0x4] =	wrdreg $0x9  }
0xb7: {  	_ =	task.clear_ibuf [dreg:s7], $0x5FFFF;
	_ =	strace $0x90000049  }
0xb8: {  	s29 =	simm.s32 $0x9;
	_ =	strace $0x8000004B  }
0xb9: {  	_ =	swait.ge [sflag:s29], $0x1  }
0xba: {  	[sflag:s29] =	ssyncadd.s32 $0xFFFFFFFF  }
0xbb: {  	_ =	strace $0x9000004B  }
0xbc: {  	_ =	sfence  }
0xbd: {  	s30 =	sld [smem:$0x0];
	_ =	sdelay $0x2  }
0xbe: {  	s31 =	sshll.u32 s1, $0xD;
	s1 =	sshrl.u32 s1, $0x2  }
0xbf: {  	s3 =	sand.u32 $0x4000, s31;
	s1 =	sadd.s32 s1, s30  }
0xc0: {  	s0 =	sor.u32 s3, s0;
	s1 =	sshll.u32 s1, $0x11  }
0xc1: {  	s0 =	sor.u32 s1, s0  }
0xc2: {  	s0 =	sadd.s32 $0x8F2B, s0  }
0xc3: {  	[sflag:s0] =	ssyncadd.remote.s32 $0x1  }
0xc4: {  	_ =	sfence.sel $0xFFFF  }
0xc5: {  	[dreg:$0x0] =	wrdreg $0xFFFFFFFF;
	(pc) =	sbr.abs _section_cstart, $3  }
0xc6: {  	[dreg:$0x1] =	wrdreg $0xFFFFFFFF  }
0xc7: {  	_ =	task.clear_ibuf [dreg:s7], $0x2FFFF;
	_ =	strace $0x9FFFFFFF  }
0xc8: {  	(tm) =	ssettm $0x7FFFFFFF  }
0xc9: {  	_ =	shalt  }
tec
execute0_lowered:
.L_overlay_start_1:
0x0: {  	(tag) =	ssettag $0x1  }
0x1: {  	s2 =	rddreg [dreg:$0x0]  }
0x2: {  	s4 =	rddreg [dreg:$0x1]  }
0x3: {  	s0 =	rddreg [dreg:$0x2]  }
0x4: {  	s1 =	stileid.u32;
	s6 =	srdreg.scid  }
0x5: {  	s3 =	simm.s32 $0x0;
	s10 =	simm.s32 $0x4280;
	s11 =	simm.s32 $0x100  }
0x6: {  	s12 =	simm.s32 $0x8280;
	s13 =	simm.s32 $0x180;
	s14 =	simm.s32 $0xC280  }
0x7: {  	s15 =	simm.s32 $0x200;
	s16 =	simm.s32 $0x10280;
	s5 =	smul.u32 $0x320, s1  }
0x8: {  	s17 =	simm.s32 $0x1;
	s7 =	smul.u32 $0x19000, s1;
	s6 =	sand.u32 $0x1, s6  }
0x9: {  	s18 =	simm.s32 $0x0;
	[smem:$0x7FF] =	sst s3;
	s8 =	smul.u32 $0xC800, s6  }
0xa: {  	_ =	strace $0x8000004A;
	s9 =	ssub.s32 $0x2, s6;
	s6 =	smul.u32 $0x190, s6  }
0xb: {  	s5 =	sadd.s32 s5, s4;
	s4 =	sadd.s32 s7, s4;
	s31 =	sshrl.u32 s9, $0x1  }
0xc: {  	s7 =	ssub.s32 s9, s31;
	s8 =	sadd.s32 s8, s4;
	s6 =	sadd.s32 s6, s5  }
0xd: {  	s9 =	simm.s32 $0x280;
	s4 =	smax.u32 s7, $0x1;
	s5 =	sadd.s32 $0x195200, s8  }
0xe: {  	s6 =	sadd.s32 $0x192000, s6;
	s7 =	simm.s32 $0x2;
	s8 =	simm.s32 $0x80  }
.LBB2_1:
0xf: {  	s19 =	sadd.s32 $0x0, s6  }
0x10: {  	[tilespmem:s3], [sflag:$0x2] =	stream.linear.gather [hbm4b:s19+s3], $0x280, $0x38;
	[tilespmem:$0x14280] =	vst v63  }
0x11: {  	_ =	swait.ge [sflag:s7], $0x280  }
0x12: {  	[sflag:s7] =	ssyncset.done $0x0  }
0x13: {  	[sflag:s7] =	ssyncadd.s32 $0xFFFFFD80  }
0x14: {  	[tilespmem:s9], [sflag:$0x1] =	stream.indirect.gather [hbm4b:s2+s8], $0x80, s3, s8, $0xb8;
	[tilespmem:$0x14280] =	vst v63  }
0x15: {  	_ = 	snop  }
0x16: {  	[tilespmem:s10], [sflag:$0x1] =	stream.indirect.gather [hbm4b:s2+s8], $0x80, s8, s8, $0xb8;
	[tilespmem:$0x14280] =	vst v63  }
0x17: {  	_ = 	snop  }
0x18: {  	[tilespmem:s12], [sflag:$0x1] =	stream.indirect.gather [hbm4b:s2+s8], $0x80, s11, s8, $0xb8;
	[tilespmem:$0x14280] =	vst v63  }
0x19: {  	_ = 	snop  }
0x1a: {  	[tilespmem:s14], [sflag:$0x1] =	stream.indirect.gather [hbm4b:s2+s8], $0x80, s13, s8, $0xb8;
	[tilespmem:$0x14280] =	vst v63  }
0x1b: {  	_ = 	snop  }
0x1c: {  	[tilespmem:s16], [sflag:$0x1] =	stream.indirect.gather [hbm4b:s2+s8], $0x80, s15, s8, $0xb8;
	[tilespmem:$0x14280] =	vst v63  }
0x1d: {  	_ =	swait.ge [sflag:s17], $0x4000  }
0x1e: {  	[sflag:s17] =	ssyncset.done $0x0  }
0x1f: {  	[sflag:s17] =	ssyncadd.s32 $0xFFFFC000  }
0x20: {  	_ =	swait.ge [sflag:s17], $0x4000  }
0x21: {  	[sflag:s17] =	ssyncset.done $0x0  }
0x22: {  	[sflag:s17] =	ssyncadd.s32 $0xFFFFC000  }
0x23: {  	_ =	swait.ge [sflag:s17], $0x4000  }
0x24: {  	[sflag:s17] =	ssyncset.done $0x0  }
0x25: {  	[sflag:s17] =	ssyncadd.s32 $0xFFFFC000  }
0x26: {  	_ =	swait.ge [sflag:s17], $0x4000  }
0x27: {  	[sflag:s17] =	ssyncset.done $0x0  }
0x28: {  	[sflag:s17] =	ssyncadd.s32 $0xFFFFC000  }
0x29: {  	_ =	swait.ge [sflag:s17], $0x4000  }
0x2a: {  	[sflag:s17] =	ssyncset.done $0x0  }
0x2b: {  	[sflag:s17] =	ssyncadd.s32 $0xFFFFC000  }
0x2c: {  	[hbm4b:s5+s3] =	stream.linear.scatter [tilespmem:s9], [sflag:$0x2], $0x14000, $0x38;
	[tilespmem:$0x14280] =	vst v63  }
0x2d: {  	s20 =	simm.s32 $0x50;
	_ =	swait.ge [sflag:s7], $0x14000  }
0x2e: {  	s21 =	simm.s32 $0xA0;
	s19 =	sadd.s32 $0x2800, s5;
	[sflag:s7] =	ssyncset.done $0x0  }
.LBB2_2:
0x2f: {  	s22 =	sadd.s32 s20, s6  }
0x30: {  	[sflag:s7] =	ssyncadd.s32 $0xFFFEC000;
	s20 =	smov.u32 s21;
	s23 =	sadd.s32 $0x50, s21  }
0x31: {  	[tilespmem:s3], [sflag:$0x2] =	stream.linear.gather [hbm4b:s22+s3], $0x280, $0x38;
	[tilespmem:$0x14280] =	vst v63  }
0x32: {  	p0 =	sne.s32 s21, $0x140;
	_ =	swait.ge [sflag:s7], $0x280  }
0x33: {  	[sflag:s7] =	ssyncset.done $0x0  }
0x34: {  	[sflag:s7] =	ssyncadd.s32 $0xFFFFFD80  }
0x35: {  	[tilespmem:s9], [sflag:$0x1] =	stream.indirect.gather [hbm4b:s2+s8], $0x80, s3, s8, $0xb8;
	[tilespmem:$0x14280] =	vst v63  }
0x36: {  	_ = 	snop  }
0x37: {  	[tilespmem:s10], [sflag:$0x1] =	stream.indirect.gather [hbm4b:s2+s8], $0x80, s8, s8, $0xb8;
	[tilespmem:$0x14280] =	vst v63  }
0x38: {  	_ = 	snop  }
0x39: {  	[tilespmem:s12], [sflag:$0x1] =	stream.indirect.gather [hbm4b:s2+s8], $0x80, s11, s8, $0xb8;
	[tilespmem:$0x14280] =	vst v63  }
0x3a: {  	_ = 	snop  }
0x3b: {  	[tilespmem:s14], [sflag:$0x1] =	stream.indirect.gather [hbm4b:s2+s8], $0x80, s13, s8, $0xb8;
	[tilespmem:$0x14280] =	vst v63  }
0x3c: {  	_ = 	snop  }
0x3d: {  	[tilespmem:s16], [sflag:$0x1] =	stream.indirect.gather [hbm4b:s2+s8], $0x80, s15, s8, $0xb8;
	[tilespmem:$0x14280] =	vst v63  }
0x3e: {  	_ =	swait.ge [sflag:s17], $0x4000  }
0x3f: {  	[sflag:s17] =	ssyncset.done $0x0  }
0x40: {  	[sflag:s17] =	ssyncadd.s32 $0xFFFFC000  }
0x41: {  	_ =	swait.ge [sflag:s17], $0x4000  }
0x42: {  	[sflag:s17] =	ssyncset.done $0x0  }
0x43: {  	[sflag:s17] =	ssyncadd.s32 $0xFFFFC000  }
0x44: {  	_ =	swait.ge [sflag:s17], $0x4000  }
0x45: {  	[sflag:s17] =	ssyncset.done $0x0  }
0x46: {  	[sflag:s17] =	ssyncadd.s32 $0xFFFFC000  }
0x47: {  	_ =	swait.ge [sflag:s17], $0x4000  }
0x48: {  	[sflag:s17] =	ssyncset.done $0x0  }
0x49: {  	[sflag:s17] =	ssyncadd.s32 $0xFFFFC000  }
0x4a: {  	_ =	swait.ge [sflag:s17], $0x4000  }
.Ltmp0:
0x4b: {  	[sflag:s17] =	ssyncset.done $0x0;
	(pc) =	sbr.rel @p0 .LBB2_2-.Ltmp0, $4  }
0x4c: {  	[sflag:s17] =	ssyncadd.s32 $0xFFFFC000  }
0x4d: {  	[hbm4b:s19+s3] =	stream.linear.scatter [tilespmem:s9], [sflag:$0x2], $0x14000, $0x38;
	[tilespmem:$0x14280] =	vst v63  }
0x4e: {  	_ =	swait.ge [sflag:s7], $0x14000  }
0x4f: {  	s21 =	smov.u32 s23;
	s19 =	sadd.s32 $0x2800, s19;
	[sflag:s7] =	ssyncset.done $0x0  }
0x50: {  	s20 =	sadd.s32 s20, s6;
	[sflag:s7] =	ssyncadd.s32 $0xFFFEC000  }
0x51: {  	[tilespmem:s3], [sflag:$0x2] =	stream.linear.gather [hbm4b:s20+s3], $0x280, $0x38;
	[tilespmem:$0x14280] =	vst v63  }
0x52: {  	_ =	swait.ge [sflag:s7], $0x280  }
0x53: {  	[sflag:s7] =	ssyncset.done $0x0  }
0x54: {  	[sflag:s7] =	ssyncadd.s32 $0xFFFFFD80  }
0x55: {  	[tilespmem:s9], [sflag:$0x1] =	stream.indirect.gather [hbm4b:s2+s8], $0x80, s3, s8, $0xb8;
	[tilespmem:$0x14280] =	vst v63  }
0x56: {  	_ = 	snop  }
0x57: {  	[tilespmem:s10], [sflag:$0x1] =	stream.indirect.gather [hbm4b:s2+s8], $0x80, s8, s8, $0xb8;
	[tilespmem:$0x14280] =	vst v63  }
0x58: {  	_ = 	snop  }
0x59: {  	[tilespmem:s12], [sflag:$0x1] =	stream.indirect.gather [hbm4b:s2+s8], $0x80, s11, s8, $0xb8;
	[tilespmem:$0x14280] =	vst v63  }
0x5a: {  	_ = 	snop  }
0x5b: {  	[tilespmem:s14], [sflag:$0x1] =	stream.indirect.gather [hbm4b:s2+s8], $0x80, s13, s8, $0xb8;
	[tilespmem:$0x14280] =	vst v63  }
0x5c: {  	_ = 	snop  }
0x5d: {  	[tilespmem:s16], [sflag:$0x1] =	stream.indirect.gather [hbm4b:s2+s8], $0x80, s15, s8, $0xb8;
	[tilespmem:$0x14280] =	vst v63  }
0x5e: {  	_ =	swait.ge [sflag:s17], $0x4000  }
0x5f: {  	[sflag:s17] =	ssyncset.done $0x0  }
0x60: {  	[sflag:s17] =	ssyncadd.s32 $0xFFFFC000  }
0x61: {  	_ =	swait.ge [sflag:s17], $0x4000  }
0x62: {  	[sflag:s17] =	ssyncset.done $0x0  }
0x63: {  	[sflag:s17] =	ssyncadd.s32 $0xFFFFC000  }
0x64: {  	_ =	swait.ge [sflag:s17], $0x4000  }
0x65: {  	[sflag:s17] =	ssyncset.done $0x0  }
0x66: {  	[sflag:s17] =	ssyncadd.s32 $0xFFFFC000  }
0x67: {  	_ =	swait.ge [sflag:s17], $0x4000  }
0x68: {  	[sflag:s17] =	ssyncset.done $0x0  }
0x69: {  	[sflag:s17] =	ssyncadd.s32 $0xFFFFC000  }
0x6a: {  	s18 =	sadd.s32 $0x1, s18;
	_ =	swait.ge [sflag:s17], $0x4000  }
0x6b: {  	p0 =	sne.s32 s18, s4;
	[sflag:s17] =	ssyncset.done $0x0  }
.Ltmp1:
0x6c: {  	[sflag:s17] =	ssyncadd.s32 $0xFFFFC000;
	(pc) =	sbr.rel @p0 .LBB2_1-.Ltmp1, $4  }
0x6d: {  	[hbm4b:s19+s3] =	stream.linear.scatter [tilespmem:s9], [sflag:$0x2], $0x14000, $0x38;
	[tilespmem:$0x14280] =	vst v63  }
0x6e: {  	_ =	swait.ge [sflag:s7], $0x14000  }
0x6f: {  	[sflag:s7] =	ssyncset.done $0x0  }
0x70: {  	[sflag:s7] =	ssyncadd.s32 $0xFFFEC000  }
0x71: {  	_ =	sfence.sel $0x180000  }
0x72: {  	[bflag:$0x0] =	sbarrier.arrive $0xFFFF  }
0x73: {  	p0 =	sne.s32 s1, $0x0;
	_ =	strace $0x9000004A  }
0x74: {  	s0 =	sadd.s32 @!p0 $0x100000, s0;
	[bflag:$0x2] =	sbarrier.arrive $0xFFFF  }
0x75: {  	[sflag:s0] =	ssyncadd.tile.s32 @!p0 $0x1;
	_ =	shalt  }
.Lfunc_end2:
_tile_overlayer_lowered:
.L_overlay_start_2:
0x76: {  	(tag) =	ssettag $0x2  }
0x77: {  	s0 =	rddreg [dreg:$0x0];
	s2 =	stileid.u32  }
0x78: {  	s1 =	rddreg [dreg:$0x1];
	p0 =	sne.s32 s2, $0x0  }
0x79: {  	s3 =	rddreg [dreg:$0x2];
	[bflag:$0x3] =	sbarrier.arrive $0xFFFF;
	s2 =	simm.s32 @!p0 $0x1C02  }
0x7a: {  	[timem:s3], [sflag:s2] =	dma.local @!p0 [hbm:s0], s1  }
0x7b: {  	s0 =	simm.s32 @!p0 $0x2  }
0x7c: {  	_ =	swait.ge @!p0 [sflag:s0], s1  }
0x7d: {  	s1 =	ssub.s32 @!p0 $0x0, s1;
	[sflag:s0] =	ssyncset.done @!p0 $0x0  }
0x7e: {  	[sflag:s0] =	ssyncadd.s32 @!p0 s1  }
0x7f: {  	[bflag:$0x3] =	sbarrier.arrive $0xFFFF  }
0x80: {  	_ =	shalt  }

</sc_bundles>
